<compile_context>
chip_gen: v7x
topology: tpu7x:2x2x1
jax: 0.10.2.dev20260603
libtpu: 0.0.44.dev20260713+nightly
codegen_flags: <defaults>
</compile_context>

<pallas_src>
import functools

import jax
import jax.numpy as jnp
from jax import lax
from jax.experimental import pallas as pl
from jax.experimental.pallas import tpu as pltpu
from jax.experimental.pallas import tpu_sc as plsc

N_NODES = 10000
D_FEAT = 128
N_EDGES = 320000

NCORES = 2
NSUB = 16
NTILES = NCORES * NSUB
LANES = 16

CH = 128
NPAD = 10240
EPAD = 327680
E_TILE = EPAD // NTILES
NCHUNK = E_TILE // CH
ROWS_TILE = NPAD // NSUB
RB = 10
TCB = NPAD // RB

_MESH = plsc.VectorSubcoreMesh(core_axis_name="c", subcore_axis_name="s")


def _sc_deg(dst_pad):

    @functools.partial(
        pl.kernel,
        out_type=jax.ShapeDtypeStruct((NCORES, NPAD, LANES), jnp.float32),
        mesh=_MESH,
        scratch_types=[
            pltpu.VMEM((CH,), jnp.int32),
            pltpu.VMEM((CH, LANES), jnp.float32),
            pltpu.VMEM_SHARED((NPAD, LANES), jnp.float32),
        ],
    )
    def deg_kernel(dst_hbm, out_hbm, idx_v, ones_v, acc_sh):
        c = lax.axis_index("c")
        s = lax.axis_index("s")
        wid = c * NSUB + s

        @pl.loop(0, CH)
        def _(i):
            ones_v[i, :] = jnp.zeros((LANES,), jnp.float32)

        for r in range(ROWS_TILE // CH):
            pltpu.sync_copy(ones_v, acc_sh.at[pl.ds(s * ROWS_TILE + r * CH, CH)])

        @pl.loop(0, CH)
        def _(i):
            ones_v[i, :] = jnp.ones((LANES,), jnp.float32)

        plsc.subcore_barrier()

        base = wid * E_TILE

        @pl.loop(0, NCHUNK)
        def _(k):
            pltpu.sync_copy(dst_hbm.at[pl.ds(base + k * CH, CH)], idx_v)
            pltpu.sync_copy(ones_v, acc_sh.at[idx_v], add=True)

        plsc.subcore_barrier()
        pltpu.sync_copy(
            acc_sh.at[pl.ds(s * ROWS_TILE, ROWS_TILE)],
            out_hbm.at[c].at[pl.ds(s * ROWS_TILE, ROWS_TILE)],
        )

    return deg_kernel(dst_pad)


def _sc_agg(g, src_pad, dst_pad):

    @functools.partial(
        pl.kernel,
        out_type=jax.ShapeDtypeStruct((NCORES, NPAD, D_FEAT), jnp.float32),
        mesh=_MESH,
        scratch_types=[
            pltpu.VMEM((CH,), jnp.int32),
            pltpu.VMEM((CH,), jnp.int32),
            pltpu.VMEM((CH, D_FEAT), jnp.float32),
            pltpu.VMEM_SHARED((NPAD, D_FEAT), jnp.float32),
            pltpu.SemaphoreType.DMA,
        ],
    )
    def agg_kernel(g_hbm, src_hbm, dst_hbm, out_hbm, sidx, didx, rows, acc_sh, sem):
        c = lax.axis_index("c")
        s = lax.axis_index("s")
        wid = c * NSUB + s

        @pl.loop(0, CH)
        def _(i):
            for j in range(D_FEAT // LANES):
                rows[i, pl.ds(j * LANES, LANES)] = jnp.zeros((LANES,), jnp.float32)

        for r in range(ROWS_TILE // CH):
            pltpu.sync_copy(rows, acc_sh.at[pl.ds(s * ROWS_TILE + r * CH, CH)])

        plsc.subcore_barrier()

        base = wid * E_TILE

        @pl.loop(0, NCHUNK)
        def _(k):
            pltpu.sync_copy(src_hbm.at[pl.ds(base + k * CH, CH)], sidx)
            pltpu.sync_copy(dst_hbm.at[pl.ds(base + k * CH, CH)], didx)
            pltpu.async_copy(g_hbm.at[sidx], rows, sem).wait()
            pltpu.sync_copy(rows, acc_sh.at[didx], add=True)

        plsc.subcore_barrier()
        pltpu.sync_copy(
            acc_sh.at[pl.ds(s * ROWS_TILE, ROWS_TILE)],
            out_hbm.at[c].at[pl.ds(s * ROWS_TILE, ROWS_TILE)],
        )

    return agg_kernel(g, src_pad, dst_pad)


def _dinv_block(d0_ref, d1_ref):
    deg = d0_ref[0][:, 0:1] + d1_ref[0][:, 0:1] + 1.0
    return lax.rsqrt(deg)


def _tc1(x_pad, W1, degp):

    def body(x_ref, w_ref, d0_ref, d1_ref, g_ref):
        dinv = _dinv_block(d0_ref, d1_ref)
        h = jnp.dot(x_ref[...], w_ref[...],
                    preferred_element_type=jnp.float32,
                    precision=lax.Precision.HIGHEST)
        g_ref[...] = h * dinv

    return pl.pallas_call(
        body,
        grid=(RB,),
        in_specs=[
            pl.BlockSpec((TCB, D_FEAT), lambda i: (i, 0)),
            pl.BlockSpec((D_FEAT, D_FEAT), lambda i: (0, 0)),
            pl.BlockSpec((1, TCB, LANES), lambda i: (0, i, 0)),
            pl.BlockSpec((1, TCB, LANES), lambda i: (1, i, 0)),
        ],
        out_specs=pl.BlockSpec((TCB, D_FEAT), lambda i: (i, 0)),
        out_shape=jax.ShapeDtypeStruct((NPAD, D_FEAT), jnp.float32),
    )(x_pad, W1, degp, degp)


def _tc2(acc1, g1, degp, b1r, W2):

    def body(a0_ref, a1_ref, g_ref, d0_ref, d1_ref, b_ref, w_ref, o_ref):
        dinv = _dinv_block(d0_ref, d1_ref)
        ssum = a0_ref[0] + a1_ref[0] + g_ref[...]
        z = jnp.maximum(ssum * dinv + b_ref[...], 0.0)
        h2 = jnp.dot(z, w_ref[...],
                     preferred_element_type=jnp.float32,
                     precision=lax.Precision.HIGHEST)
        o_ref[...] = h2 * dinv

    return pl.pallas_call(
        body,
        grid=(RB,),
        in_specs=[
            pl.BlockSpec((1, TCB, D_FEAT), lambda i: (0, i, 0)),
            pl.BlockSpec((1, TCB, D_FEAT), lambda i: (1, i, 0)),
            pl.BlockSpec((TCB, D_FEAT), lambda i: (i, 0)),
            pl.BlockSpec((1, TCB, LANES), lambda i: (0, i, 0)),
            pl.BlockSpec((1, TCB, LANES), lambda i: (1, i, 0)),
            pl.BlockSpec((1, D_FEAT), lambda i: (0, 0)),
            pl.BlockSpec((D_FEAT, D_FEAT), lambda i: (0, 0)),
        ],
        out_specs=pl.BlockSpec((TCB, D_FEAT), lambda i: (i, 0)),
        out_shape=jax.ShapeDtypeStruct((NPAD, D_FEAT), jnp.float32),
    )(acc1, acc1, g1, degp, degp, b1r, W2)


def _tc3(acc2, g2, degp, b2r):

    def body(a0_ref, a1_ref, g_ref, d0_ref, d1_ref, b_ref, o_ref):
        dinv = _dinv_block(d0_ref, d1_ref)
        ssum = a0_ref[0] + a1_ref[0] + g_ref[...]
        o_ref[...] = ssum * dinv + b_ref[...]

    return pl.pallas_call(
        body,
        grid=(RB,),
        in_specs=[
            pl.BlockSpec((1, TCB, D_FEAT), lambda i: (0, i, 0)),
            pl.BlockSpec((1, TCB, D_FEAT), lambda i: (1, i, 0)),
            pl.BlockSpec((TCB, D_FEAT), lambda i: (i, 0)),
            pl.BlockSpec((1, TCB, LANES), lambda i: (0, i, 0)),
            pl.BlockSpec((1, TCB, LANES), lambda i: (1, i, 0)),
            pl.BlockSpec((1, D_FEAT), lambda i: (0, 0)),
        ],
        out_specs=pl.BlockSpec((TCB, D_FEAT), lambda i: (i, 0)),
        out_shape=jax.ShapeDtypeStruct((NPAD, D_FEAT), jnp.float32),
    )(acc2, acc2, g2, degp, degp, b2r)


def kernel(x, edge_index, W1, b1, W2, b2):
    ei = edge_index.astype(jnp.int32)
    padn = EPAD - N_EDGES
    src_pad = jnp.concatenate([ei[0], jnp.zeros((padn,), jnp.int32)])
    dst_pad = jnp.concatenate([ei[1], jnp.full((padn,), N_NODES, jnp.int32)])
    x_pad = jnp.concatenate(
        [x, jnp.zeros((NPAD - N_NODES, D_FEAT), jnp.float32)])
    b1r = b1.reshape(1, D_FEAT)
    b2r = b2.reshape(1, D_FEAT)

    degp = _sc_deg(dst_pad)
    g1 = _tc1(x_pad, W1, degp)
    acc1 = _sc_agg(g1, src_pad, dst_pad)
    g2 = _tc2(acc1, g1, degp, b1r, W2)
    acc2 = _sc_agg(g2, src_pad, dst_pad)
    out = _tc3(acc2, g2, degp, b2r)
    return out[:N_NODES]

# --- scband reference (transcript-rebuilt; emitter-appended) ---
"""Pipeline reference for scband-sc-gnn-28887950033749 (READ-ONLY COPY).

The authoritative reference and input builder live on the scoring server;
editing this copy changes nothing except your own understanding.
"""

import jax, jax.numpy as jnp
import numpy as np

NUM_NODES = 10000
D_IN = 128
D_MID = 128
NUM_EDGES = 320000


def gcn_conv(x, edge_index, W, b, num_nodes):
    # Faithful PyG GCNConv: add self-loops, symmetric deg^{-1/2} normalization,
    # linear transform, scatter-add aggregation onto dst, plus bias.
    src = edge_index[0]
    dst = edge_index[1]
    loop = jnp.arange(num_nodes, dtype=edge_index.dtype)
    src = jnp.concatenate([src, loop])
    dst = jnp.concatenate([dst, loop])
    deg = jnp.zeros((num_nodes,), dtype=x.dtype).at[dst].add(jnp.ones_like(dst, dtype=x.dtype))
    deg_inv_sqrt = jnp.where(deg > 0, jax.lax.rsqrt(jnp.maximum(deg, 1e-12)), 0.0)
    norm = deg_inv_sqrt[src] * deg_inv_sqrt[dst]
    h = x @ W
    msg = h[src] * norm[:, None]
    out = jnp.zeros((num_nodes, W.shape[1]), dtype=x.dtype).at[dst].add(msg)
    return out + b


def setup_inputs(seed: int = 0) -> dict:
    key = jax.random.key(seed)
    k1, k2, k3, k4, k5, k6 = jax.random.split(key, 6)
    x = jax.random.normal(k1, (NUM_NODES, D_IN), dtype=jnp.float32)
    edge_index = jax.random.randint(k2, (2, NUM_EDGES), 0, NUM_NODES, dtype=jnp.int64)
    s1 = 1.0 / np.sqrt(D_IN)
    s2 = 1.0 / np.sqrt(D_MID)
    W1 = jax.random.uniform(k3, (D_IN, D_MID), dtype=jnp.float32, minval=-s1, maxval=s1)
    b1 = jnp.zeros((D_MID,), dtype=jnp.float32)
    W2 = jax.random.uniform(k4, (D_MID, D_IN), dtype=jnp.float32, minval=-s2, maxval=s2)
    b2 = jnp.zeros((D_IN,), dtype=jnp.float32)
    return {"x": x, "edge_index": edge_index, "W1": W1, "b1": b1, "W2": W2, "b2": b2}


def reference(x, edge_index, W1, b1, W2, b2):
    # scGNN.forward (eval mode: dropout is identity)
    h = gcn_conv(x, edge_index, W1, b1, NUM_NODES)
    h = jax.nn.relu(h)
    out = gcn_conv(h, edge_index, W2, b2, NUM_NODES)
    return out

if __name__ == "__main__":
    import jax
    _d = setup_inputs()
    print(jax.jit(kernel)(*tuple(_d.values())))

</pallas_src>

<mosaic_0001>
#map = affine_map<(d0, d1) -> (0, 0)>
#map1 = affine_map<(d0, d1) -> (0)>
#map2 = affine_map<(d0, d1) -> (0, 0, 0)>
module attributes {stable_mosaic.version = 14 : i64} {
  func.func @agg_kernel(%arg0: i32, %arg1: i32, %arg2: memref<10240x128xf32, #tpu.memory_space<hbm>>, %arg3: memref<327680xi32, #tpu.memory_space<hbm>>, %arg4: memref<327680xi32, #tpu.memory_space<hbm>>, %arg5: memref<2x10240x128xf32, #tpu.memory_space<hbm>>, %arg6: memref<128xi32, #tpu.memory_space<vmem>>, %arg7: memref<128xi32, #tpu.memory_space<vmem>>, %arg8: memref<128x128xf32, #tpu.memory_space<vmem>>, %arg9: memref<10240x128xf32, #tpu.memory_space<vmem_shared>>, %arg10: memref<!tpu.dma_semaphore, #tpu.memory_space<semaphore_mem>>) attributes {dimension_semantics = [#tpu.dimension_semantics<core_parallel>, #tpu.dimension_semantics<subcore_parallel>], iteration_bounds = array<i64: 2, 16>, scalar_prefetch = 0 : i64, scratch_operands = 5 : i64, tpu.core_type = #tpu.core_type<sc_vector_subcore>, window_params = [{transform_indices = #map}, {transform_indices = #map1}, {transform_indices = #map1}, {transform_indices = #map2}]} {
    %mul3A = arith.constant 16 : i32
    %mul3A_0 = arith.muli %arg0, %mul3A : i32
    %add3A = arith.addi %mul3A_0, %arg1 : i32
    %scan3A = arith.constant 0 : i32
    %scan3A_1 = arith.constant 128 : i32
    %scan3A_2 = arith.addi %scan3A, %scan3A_1 : i32
    %scan3A_3 = arith.constant 1 : i32
    scf.for %scan3A_37 = %scan3A to %scan3A_2 step %scan3A_3  : i32 {
      %mul3A_38 = arith.constant 1 : i32
      %mul3A_39 = arith.muli %scan3A_37, %mul3A_38 : i32
      %add3A_40 = arith.constant 0 : i32
      %add3A_41 = arith.addi %add3A_40, %mul3A_39 : i32
      %broadcast_in_dim3A = arith.constant 0.000000e+00 : f32
      %broadcast_in_dim3A_42 = vector.broadcast %broadcast_in_dim3A : f32 to vector<16xf32>
      %swap3A = arith.index_cast %add3A_41 : i32 to index
      %swap3A_43 = arith.constant 0 : index
      %swap3A_44 = tpu.vector_load %arg8[%swap3A, %swap3A_43] {strides = array<i32>} : memref<128x128xf32, #tpu.memory_space<vmem>>, vector<1x16xf32>,
      %swap3A_45 = vector.shape_cast %swap3A_44 : vector<1x16xf32> to vector<16xf32>
      %swap3A_46 = vector.shape_cast %broadcast_in_dim3A_42 : vector<16xf32> to vector<1x16xf32>
      tpu.vector_store %arg8[%swap3A, %swap3A_43], %swap3A_46 {strides = array<i32>} : memref<128x128xf32, #tpu.memory_space<vmem>>, vector<1x16xf32>,
      %broadcast_in_dim3A_47 = arith.constant 0.000000e+00 : f32
      %broadcast_in_dim3A_48 = vector.broadcast %broadcast_in_dim3A_47 : f32 to vector<16xf32>
      %swap3A_49 = arith.index_cast %add3A_41 : i32 to index
      %swap3A_50 = arith.constant 16 : index
      %swap3A_51 = tpu.vector_load %arg8[%swap3A_49, %swap3A_50] {strides = array<i32>} : memref<128x128xf32, #tpu.memory_space<vmem>>, vector<1x16xf32>,
      %swap3A_52 = vector.shape_cast %swap3A_51 : vector<1x16xf32> to vector<16xf32>
      %swap3A_53 = vector.shape_cast %broadcast_in_dim3A_48 : vector<16xf32> to vector<1x16xf32>
      tpu.vector_store %arg8[%swap3A_49, %swap3A_50], %swap3A_53 {strides = array<i32>} : memref<128x128xf32, #tpu.memory_space<vmem>>, vector<1x16xf32>,
      %broadcast_in_dim3A_54 = arith.constant 0.000000e+00 : f32
      %broadcast_in_dim3A_55 = vector.broadcast %broadcast_in_dim3A_54 : f32 to vector<16xf32>
      %swap3A_56 = arith.index_cast %add3A_41 : i32 to index
      %swap3A_57 = arith.constant 32 : index
      %swap3A_58 = tpu.vector_load %arg8[%swap3A_56, %swap3A_57] {strides = array<i32>} : memref<128x128xf32, #tpu.memory_space<vmem>>, vector<1x16xf32>,
      %swap3A_59 = vector.shape_cast %swap3A_58 : vector<1x16xf32> to vector<16xf32>
      %swap3A_60 = vector.shape_cast %broadcast_in_dim3A_55 : vector<16xf32> to vector<1x16xf32>
      tpu.vector_store %arg8[%swap3A_56, %swap3A_57], %swap3A_60 {strides = array<i32>} : memref<128x128xf32, #tpu.memory_space<vmem>>, vector<1x16xf32>,
      %broadcast_in_dim3A_61 = arith.constant 0.000000e+00 : f32
      %broadcast_in_dim3A_62 = vector.broadcast %broadcast_in_dim3A_61 : f32 to vector<16xf32>
      %swap3A_63 = arith.index_cast %add3A_41 : i32 to index
      %swap3A_64 = arith.constant 48 : index
      %swap3A_65 = tpu.vector_load %arg8[%swap3A_63, %swap3A_64] {strides = array<i32>} : memref<128x128xf32, #tpu.memory_space<vmem>>, vector<1x16xf32>,
      %swap3A_66 = vector.shape_cast %swap3A_65 : vector<1x16xf32> to vector<16xf32>
      %swap3A_67 = vector.shape_cast %broadcast_in_dim3A_62 : vector<16xf32> to vector<1x16xf32>
      tpu.vector_store %arg8[%swap3A_63, %swap3A_64], %swap3A_67 {strides = array<i32>} : memref<128x128xf32, #tpu.memory_space<vmem>>, vector<1x16xf32>,
      %broadcast_in_dim3A_68 = arith.constant 0.000000e+00 : f32
      %broadcast_in_dim3A_69 = vector.broadcast %broadcast_in_dim3A_68 : f32 to vector<16xf32>
      %swap3A_70 = arith.index_cast %add3A_41 : i32 to index
      %swap3A_71 = arith.constant 64 : index
      %swap3A_72 = tpu.vector_load %arg8[%swap3A_70, %swap3A_71] {strides = array<i32>} : memref<128x128xf32, #tpu.memory_space<vmem>>, vector<1x16xf32>,
      %swap3A_73 = vector.shape_cast %swap3A_72 : vector<1x16xf32> to vector<16xf32>
      %swap3A_74 = vector.shape_cast %broadcast_in_dim3A_69 : vector<16xf32> to vector<1x16xf32>
      tpu.vector_store %arg8[%swap3A_70, %swap3A_71], %swap3A_74 {strides = array<i32>} : memref<128x128xf32, #tpu.memory_space<vmem>>, vector<1x16xf32>,
      %broadcast_in_dim3A_75 = arith.constant 0.000000e+00 : f32
      %broadcast_in_dim3A_76 = vector.broadcast %broadcast_in_dim3A_75 : f32 to vector<16xf32>
      %swap3A_77 = arith.index_cast %add3A_41 : i32 to index
      %swap3A_78 = arith.constant 80 : index
      %swap3A_79 = tpu.vector_load %arg8[%swap3A_77, %swap3A_78] {strides = array<i32>} : memref<128x128xf32, #tpu.memory_space<vmem>>, vector<1x16xf32>,
      %swap3A_80 = vector.shape_cast %swap3A_79 : vector<1x16xf32> to vector<16xf32>
      %swap3A_81 = vector.shape_cast %broadcast_in_dim3A_76 : vector<16xf32> to vector<1x16xf32>
      tpu.vector_store %arg8[%swap3A_77, %swap3A_78], %swap3A_81 {strides = array<i32>} : memref<128x128xf32, #tpu.memory_space<vmem>>, vector<1x16xf32>,
      %broadcast_in_dim3A_82 = arith.constant 0.000000e+00 : f32
      %broadcast_in_dim3A_83 = vector.broadcast %broadcast_in_dim3A_82 : f32 to vector<16xf32>
      %swap3A_84 = arith.index_cast %add3A_41 : i32 to index
      %swap3A_85 = arith.constant 96 : index
      %swap3A_86 = tpu.vector_load %arg8[%swap3A_84, %swap3A_85] {strides = array<i32>} : memref<128x128xf32, #tpu.memory_space<vmem>>, vector<1x16xf32>,
      %swap3A_87 = vector.shape_cast %swap3A_86 : vector<1x16xf32> to vector<16xf32>
      %swap3A_88 = vector.shape_cast %broadcast_in_dim3A_83 : vector<16xf32> to vector<1x16xf32>
      tpu.vector_store %arg8[%swap3A_84, %swap3A_85], %swap3A_88 {strides = array<i32>} : memref<128x128xf32, #tpu.memory_space<vmem>>, vector<1x16xf32>,
      %broadcast_in_dim3A_89 = arith.constant 0.000000e+00 : f32
      %broadcast_in_dim3A_90 = vector.broadcast %broadcast_in_dim3A_89 : f32 to vector<16xf32>
      %swap3A_91 = arith.index_cast %add3A_41 : i32 to index
      %swap3A_92 = arith.constant 112 : index
      %swap3A_93 = tpu.vector_load %arg8[%swap3A_91, %swap3A_92] {strides = array<i32>} : memref<128x128xf32, #tpu.memory_space<vmem>>, vector<1x16xf32>,
      %swap3A_94 = vector.shape_cast %swap3A_93 : vector<1x16xf32> to vector<16xf32>
      %swap3A_95 = vector.shape_cast %broadcast_in_dim3A_90 : vector<16xf32> to vector<1x16xf32>
      tpu.vector_store %arg8[%swap3A_91, %swap3A_92], %swap3A_95 {strides = array<i32>} : memref<128x128xf32, #tpu.memory_space<vmem>>, vector<1x16xf32>,
    }
    %scan3A_4 = arith.constant 128 : i32
    %mul3A_5 = arith.constant 640 : i32
    %mul3A_6 = arith.muli %arg1, %mul3A_5 : i32
    %add3A_7 = arith.constant 0 : i32
    %add3A_8 = arith.addi %mul3A_6, %add3A_7 : i32
    "tpu.region"() ({
      %run_scoped3A = tpu.sem_alloc : memref<!tpu.dma_semaphore, #tpu.memory_space<semaphore_mem>>
      %dma_start3A = arith.constant 0 : i32
      %dma_start3A_37 = tpu.memref_slice %arg9[%add3A_8, %dma_start3A] : memref<10240x128xf32, #tpu.memory_space<vmem_shared>> -> memref<128x128xf32, #tpu.memory_space<vmem_shared>>
      %dma_start3A_38 = arith.constant 0 : i32
      %dma_start3A_39 = tpu.memref_slice %arg9[%add3A_8, %dma_start3A_38] : memref<10240x128xf32, #tpu.memory_space<vmem_shared>> -> memref<128x128xf32, #tpu.memory_space<vmem_shared>>
      tpu.enqueue_dma source(%arg8 : memref<128x128xf32, #tpu.memory_space<vmem>>) target(%dma_start3A_39 : memref<128x128xf32, #tpu.memory_space<vmem_shared>>) target_semaphore(%run_scoped3A : memref<!tpu.dma_semaphore, #tpu.memory_space<semaphore_mem>>)
      %dma_wait3A = arith.constant 0 : i32
      %dma_wait3A_40 = tpu.memref_slice %arg9[%add3A_8, %dma_wait3A] : memref<10240x128xf32, #tpu.memory_space<vmem_shared>> -> memref<128x128xf32, #tpu.memory_space<vmem_shared>>
      %dma_wait3A_41 = arith.constant 0 : i32
      %dma_wait3A_42 = tpu.memref_slice %arg9[%add3A_8, %dma_wait3A_41] : memref<10240x128xf32, #tpu.memory_space<vmem_shared>> -> memref<128x128xf32, #tpu.memory_space<vmem_shared>>
      tpu.wait_dma2 semaphore(%run_scoped3A : memref<!tpu.dma_semaphore, #tpu.memory_space<semaphore_mem>>) src(%arg8 : memref<128x128xf32, #tpu.memory_space<vmem>>) dst(%dma_wait3A_42 : memref<128x128xf32, #tpu.memory_space<vmem_shared>>)
      tpu.yield
    }) : () -> ()
    %mul3A_9 = arith.constant 640 : i32
    %mul3A_10 = arith.muli %arg1, %mul3A_9 : i32
    %add3A_11 = arith.constant 128 : i32
    %add3A_12 = arith.addi %mul3A_10, %add3A_11 : i32
    "tpu.region"() ({
      %run_scoped3A = tpu.sem_alloc : memref<!tpu.dma_semaphore, #tpu.memory_space<semaphore_mem>>
      %dma_start3A = arith.constant 0 : i32
      %dma_start3A_37 = tpu.memref_slice %arg9[%add3A_12, %dma_start3A] : memref<10240x128xf32, #tpu.memory_space<vmem_shared>> -> memref<128x128xf32, #tpu.memory_space<vmem_shared>>
      %dma_start3A_38 = arith.constant 0 : i32
      %dma_start3A_39 = tpu.memref_slice %arg9[%add3A_12, %dma_start3A_38] : memref<10240x128xf32, #tpu.memory_space<vmem_shared>> -> memref<128x128xf32, #tpu.memory_space<vmem_shared>>
      tpu.enqueue_dma source(%arg8 : memref<128x128xf32, #tpu.memory_space<vmem>>) target(%dma_start3A_39 : memref<128x128xf32, #tpu.memory_space<vmem_shared>>) target_semaphore(%run_scoped3A : memref<!tpu.dma_semaphore, #tpu.memory_space<semaphore_mem>>)
      %dma_wait3A = arith.constant 0 : i32
      %dma_wait3A_40 = tpu.memref_slice %arg9[%add3A_12, %dma_wait3A] : memref<10240x128xf32, #tpu.memory_space<vmem_shared>> -> memref<128x128xf32, #tpu.memory_space<vmem_shared>>
      %dma_wait3A_41 = arith.constant 0 : i32
      %dma_wait3A_42 = tpu.memref_slice %arg9[%add3A_12, %dma_wait3A_41] : memref<10240x128xf32, #tpu.memory_space<vmem_shared>> -> memref<128x128xf32, #tpu.memory_space<vmem_shared>>
      tpu.wait_dma2 semaphore(%run_scoped3A : memref<!tpu.dma_semaphore, #tpu.memory_space<semaphore_mem>>) src(%arg8 : memref<128x128xf32, #tpu.memory_space<vmem>>) dst(%dma_wait3A_42 : memref<128x128xf32, #tpu.memory_space<vmem_shared>>)
      tpu.yield
    }) : () -> ()
    %mul3A_13 = arith.constant 640 : i32
    %mul3A_14 = arith.muli %arg1, %mul3A_13 : i32
    %add3A_15 = arith.constant 256 : i32
    %add3A_16 = arith.addi %mul3A_14, %add3A_15 : i32
    "tpu.region"() ({
      %run_scoped3A = tpu.sem_alloc : memref<!tpu.dma_semaphore, #tpu.memory_space<semaphore_mem>>
      %dma_start3A = arith.constant 0 : i32
      %dma_start3A_37 = tpu.memref_slice %arg9[%add3A_16, %dma_start3A] : memref<10240x128xf32, #tpu.memory_space<vmem_shared>> -> memref<128x128xf32, #tpu.memory_space<vmem_shared>>
      %dma_start3A_38 = arith.constant 0 : i32
      %dma_start3A_39 = tpu.memref_slice %arg9[%add3A_16, %dma_start3A_38] : memref<10240x128xf32, #tpu.memory_space<vmem_shared>> -> memref<128x128xf32, #tpu.memory_space<vmem_shared>>
      tpu.enqueue_dma source(%arg8 : memref<128x128xf32, #tpu.memory_space<vmem>>) target(%dma_start3A_39 : memref<128x128xf32, #tpu.memory_space<vmem_shared>>) target_semaphore(%run_scoped3A : memref<!tpu.dma_semaphore, #tpu.memory_space<semaphore_mem>>)
      %dma_wait3A = arith.constant 0 : i32
      %dma_wait3A_40 = tpu.memref_slice %arg9[%add3A_16, %dma_wait3A] : memref<10240x128xf32, #tpu.memory_space<vmem_shared>> -> memref<128x128xf32, #tpu.memory_space<vmem_shared>>
      %dma_wait3A_41 = arith.constant 0 : i32
      %dma_wait3A_42 = tpu.memref_slice %arg9[%add3A_16, %dma_wait3A_41] : memref<10240x128xf32, #tpu.memory_space<vmem_shared>> -> memref<128x128xf32, #tpu.memory_space<vmem_shared>>
      tpu.wait_dma2 semaphore(%run_scoped3A : memref<!tpu.dma_semaphore, #tpu.memory_space<semaphore_mem>>) src(%arg8 : memref<128x128xf32, #tpu.memory_space<vmem>>) dst(%dma_wait3A_42 : memref<128x128xf32, #tpu.memory_space<vmem_shared>>)
      tpu.yield
    }) : () -> ()
    %mul3A_17 = arith.constant 640 : i32
    %mul3A_18 = arith.muli %arg1, %mul3A_17 : i32
    %add3A_19 = arith.constant 384 : i32
    %add3A_20 = arith.addi %mul3A_18, %add3A_19 : i32
    "tpu.region"() ({
      %run_scoped3A = tpu.sem_alloc : memref<!tpu.dma_semaphore, #tpu.memory_space<semaphore_mem>>
      %dma_start3A = arith.constant 0 : i32
      %dma_start3A_37 = tpu.memref_slice %arg9[%add3A_20, %dma_start3A] : memref<10240x128xf32, #tpu.memory_space<vmem_shared>> -> memref<128x128xf32, #tpu.memory_space<vmem_shared>>
      %dma_start3A_38 = arith.constant 0 : i32
      %dma_start3A_39 = tpu.memref_slice %arg9[%add3A_20, %dma_start3A_38] : memref<10240x128xf32, #tpu.memory_space<vmem_shared>> -> memref<128x128xf32, #tpu.memory_space<vmem_shared>>
      tpu.enqueue_dma source(%arg8 : memref<128x128xf32, #tpu.memory_space<vmem>>) target(%dma_start3A_39 : memref<128x128xf32, #tpu.memory_space<vmem_shared>>) target_semaphore(%run_scoped3A : memref<!tpu.dma_semaphore, #tpu.memory_space<semaphore_mem>>)
      %dma_wait3A = arith.constant 0 : i32
      %dma_wait3A_40 = tpu.memref_slice %arg9[%add3A_20, %dma_wait3A] : memref<10240x128xf32, #tpu.memory_space<vmem_shared>> -> memref<128x128xf32, #tpu.memory_space<vmem_shared>>
      %dma_wait3A_41 = arith.constant 0 : i32
      %dma_wait3A_42 = tpu.memref_slice %arg9[%add3A_20, %dma_wait3A_41] : memref<10240x128xf32, #tpu.memory_space<vmem_shared>> -> memref<128x128xf32, #tpu.memory_space<vmem_shared>>
      tpu.wait_dma2 semaphore(%run_scoped3A : memref<!tpu.dma_semaphore, #tpu.memory_space<semaphore_mem>>) src(%arg8 : memref<128x128xf32, #tpu.memory_space<vmem>>) dst(%dma_wait3A_42 : memref<128x128xf32, #tpu.memory_space<vmem_shared>>)
      tpu.yield
    }) : () -> ()
    %mul3A_21 = arith.constant 640 : i32
    %mul3A_22 = arith.muli %arg1, %mul3A_21 : i32
    %add3A_23 = arith.constant 512 : i32
    %add3A_24 = arith.addi %mul3A_22, %add3A_23 : i32
    "tpu.region"() ({
      %run_scoped3A = tpu.sem_alloc : memref<!tpu.dma_semaphore, #tpu.memory_space<semaphore_mem>>
      %dma_start3A = arith.constant 0 : i32
      %dma_start3A_37 = tpu.memref_slice %arg9[%add3A_24, %dma_start3A] : memref<10240x128xf32, #tpu.memory_space<vmem_shared>> -> memref<128x128xf32, #tpu.memory_space<vmem_shared>>
      %dma_start3A_38 = arith.constant 0 : i32
      %dma_start3A_39 = tpu.memref_slice %arg9[%add3A_24, %dma_start3A_38] : memref<10240x128xf32, #tpu.memory_space<vmem_shared>> -> memref<128x128xf32, #tpu.memory_space<vmem_shared>>
      tpu.enqueue_dma source(%arg8 : memref<128x128xf32, #tpu.memory_space<vmem>>) target(%dma_start3A_39 : memref<128x128xf32, #tpu.memory_space<vmem_shared>>) target_semaphore(%run_scoped3A : memref<!tpu.dma_semaphore, #tpu.memory_space<semaphore_mem>>)
      %dma_wait3A = arith.constant 0 : i32
      %dma_wait3A_40 = tpu.memref_slice %arg9[%add3A_24, %dma_wait3A] : memref<10240x128xf32, #tpu.memory_space<vmem_shared>> -> memref<128x128xf32, #tpu.memory_space<vmem_shared>>
      %dma_wait3A_41 = arith.constant 0 : i32
      %dma_wait3A_42 = tpu.memref_slice %arg9[%add3A_24, %dma_wait3A_41] : memref<10240x128xf32, #tpu.memory_space<vmem_shared>> -> memref<128x128xf32, #tpu.memory_space<vmem_shared>>
      tpu.wait_dma2 semaphore(%run_scoped3A : memref<!tpu.dma_semaphore, #tpu.memory_space<semaphore_mem>>) src(%arg8 : memref<128x128xf32, #tpu.memory_space<vmem>>) dst(%dma_wait3A_42 : memref<128x128xf32, #tpu.memory_space<vmem_shared>>)
      tpu.yield
    }) : () -> ()
    %barrier3A = arith.constant 0 : index
    tpu.barrier barrier_id(%barrier3A)
    %mul3A_25 = arith.constant 10240 : i32
    %mul3A_26 = arith.muli %add3A, %mul3A_25 : i32
    %scan3A_27 = arith.constant 0 : i32
    %scan3A_28 = arith.constant 80 : i32
    %scan3A_29 = arith.addi %scan3A_27, %scan3A_28 : i32
    %scan3A_30 = arith.constant 1 : i32
    scf.for %scan3A_37 = %scan3A_27 to %scan3A_29 step %scan3A_30  : i32 {
      %mul3A_38 = arith.constant 1 : i32
      %mul3A_39 = arith.muli %scan3A_37, %mul3A_38 : i32
      %add3A_40 = arith.constant 0 : i32
      %add3A_41 = arith.addi %add3A_40, %mul3A_39 : i32
      %mul3A_42 = arith.constant 128 : i32
      %mul3A_43 = arith.muli %add3A_41, %mul3A_42 : i32
      %add3A_44 = arith.addi %mul3A_26, %mul3A_43 : i32
      "tpu.region"() ({
        %run_scoped3A = tpu.sem_alloc : memref<!tpu.dma_semaphore, #tpu.memory_space<semaphore_mem>>
        %dma_start3A_52 = tpu.memref_slice %arg3[%add3A_44] : memref<327680xi32, #tpu.memory_space<hbm>> -> memref<128xi32, #tpu.memory_space<hbm>>
        %dma_start3A_53 = tpu.memref_slice %arg3[%add3A_44] : memref<327680xi32, #tpu.memory_space<hbm>> -> memref<128xi32, #tpu.memory_space<hbm>>
        tpu.enqueue_dma source(%dma_start3A_53 : memref<128xi32, #tpu.memory_space<hbm>>) target(%arg6 : memref<128xi32, #tpu.memory_space<vmem>>) target_semaphore(%run_scoped3A : memref<!tpu.dma_semaphore, #tpu.memory_space<semaphore_mem>>)
        %dma_wait3A_54 = tpu.memref_slice %arg3[%add3A_44] : memref<327680xi32, #tpu.memory_space<hbm>> -> memref<128xi32, #tpu.memory_space<hbm>>
        %dma_wait3A_55 = tpu.memref_slice %arg3[%add3A_44] : memref<327680xi32, #tpu.memory_space<hbm>> -> memref<128xi32, #tpu.memory_space<hbm>>
        tpu.wait_dma2 semaphore(%run_scoped3A : memref<!tpu.dma_semaphore, #tpu.memory_space<semaphore_mem>>) src(%dma_wait3A_55 : memref<128xi32, #tpu.memory_space<hbm>>) dst(%arg6 : memref<128xi32, #tpu.memory_space<vmem>>)
        tpu.yield
      }) : () -> ()
      %mul3A_45 = arith.constant 128 : i32
      %mul3A_46 = arith.muli %add3A_41, %mul3A_45 : i32
      %add3A_47 = arith.addi %mul3A_26, %mul3A_46 : i32
      "tpu.region"() ({
        %run_scoped3A = tpu.sem_alloc : memref<!tpu.dma_semaphore, #tpu.memory_space<semaphore_mem>>
        %dma_start3A_52 = tpu.memref_slice %arg4[%add3A_47] : memref<327680xi32, #tpu.memory_space<hbm>> -> memref<128xi32, #tpu.memory_space<hbm>>
        %dma_start3A_53 = tpu.memref_slice %arg4[%add3A_47] : memref<327680xi32, #tpu.memory_space<hbm>> -> memref<128xi32, #tpu.memory_space<hbm>>
        tpu.enqueue_dma source(%dma_start3A_53 : memref<128xi32, #tpu.memory_space<hbm>>) target(%arg7 : memref<128xi32, #tpu.memory_space<vmem>>) target_semaphore(%run_scoped3A : memref<!tpu.dma_semaphore, #tpu.memory_space<semaphore_mem>>)
        %dma_wait3A_54 = tpu.memref_slice %arg4[%add3A_47] : memref<327680xi32, #tpu.memory_space<hbm>> -> memref<128xi32, #tpu.memory_space<hbm>>
        %dma_wait3A_55 = tpu.memref_slice %arg4[%add3A_47] : memref<327680xi32, #tpu.memory_space<hbm>> -> memref<128xi32, #tpu.memory_space<hbm>>
        tpu.wait_dma2 semaphore(%run_scoped3A : memref<!tpu.dma_semaphore, #tpu.memory_space<semaphore_mem>>) src(%dma_wait3A_55 : memref<128xi32, #tpu.memory_space<hbm>>) dst(%arg7 : memref<128xi32, #tpu.memory_space<vmem>>)
        tpu.yield
      }) : () -> ()
      %dma_start3A = arith.constant 0 : i32
      %dma_start3A_48 = arith.constant 0 : i32
      %dma_start3A_49 = tpu.memref_slice %arg2[%dma_start3A, %dma_start3A_48] : memref<10240x128xf32, #tpu.memory_space<hbm>> -> memref<10240x128xf32, #tpu.memory_space<hbm>>
      tpu.enqueue_indirect_dma source(%dma_start3A_49 : memref<10240x128xf32, #tpu.memory_space<hbm>>) target(%arg8 : memref<128x128xf32, #tpu.memory_space<vmem>>) offsets(%arg6 : memref<128xi32, #tpu.memory_space<vmem>>) semaphore(%arg10 : memref<!tpu.dma_semaphore, #tpu.memory_space<semaphore_mem>>)
      %dma_wait3A = arith.constant 0 : i32
      %dma_wait3A_50 = arith.constant 0 : i32
      %dma_wait3A_51 = tpu.memref_slice %arg2[%dma_wait3A, %dma_wait3A_50] : memref<10240x128xf32, #tpu.memory_space<hbm>> -> memref<10240x128xf32, #tpu.memory_space<hbm>>
      tpu.wait_indirect_dma semaphore(%arg10 : memref<!tpu.dma_semaphore, #tpu.memory_space<semaphore_mem>>) src(%dma_wait3A_51 : memref<10240x128xf32, #tpu.memory_space<hbm>>) dst(%arg8 : memref<128x128xf32, #tpu.memory_space<vmem>>)
      "tpu.region"() ({
        %run_scoped3A = tpu.sem_alloc : memref<!tpu.dma_semaphore, #tpu.memory_space<semaphore_mem>>
        %dma_start3A_52 = arith.constant 0 : i32
        %dma_start3A_53 = arith.constant 0 : i32
        %dma_start3A_54 = tpu.memref_slice %arg9[%dma_start3A_52, %dma_start3A_53] : memref<10240x128xf32, #tpu.memory_space<vmem_shared>> -> memref<10240x128xf32, #tpu.memory_space<vmem_shared>>
        tpu.enqueue_indirect_dma source(%arg8 : memref<128x128xf32, #tpu.memory_space<vmem>>) target(%dma_start3A_54 : memref<10240x128xf32, #tpu.memory_space<vmem_shared>>) offsets(%arg7 : memref<128xi32, #tpu.memory_space<vmem>>) semaphore(%run_scoped3A : memref<!tpu.dma_semaphore, #tpu.memory_space<semaphore_mem>>) {add = true}
        %dma_wait3A_55 = arith.constant 0 : i32
        %dma_wait3A_56 = arith.constant 0 : i32
        %dma_wait3A_57 = tpu.memref_slice %arg9[%dma_wait3A_55, %dma_wait3A_56] : memref<10240x128xf32, #tpu.memory_space<vmem_shared>> -> memref<10240x128xf32, #tpu.memory_space<vmem_shared>>
        tpu.wait_indirect_dma semaphore(%run_scoped3A : memref<!tpu.dma_semaphore, #tpu.memory_space<semaphore_mem>>) src(%arg8 : memref<128x128xf32, #tpu.memory_space<vmem>>) dst(%dma_wait3A_57 : memref<10240x128xf32, #tpu.memory_space<vmem_shared>>)
        tpu.yield
      }) : () -> ()
    }
    %scan3A_31 = arith.constant 80 : i32
    %barrier3A_32 = arith.constant 0 : index
    tpu.barrier barrier_id(%barrier3A_32)
    %mul3A_33 = arith.constant 640 : i32
    %mul3A_34 = arith.muli %arg1, %mul3A_33 : i32
    %mul3A_35 = arith.constant 640 : i32
    %mul3A_36 = arith.muli %arg1, %mul3A_35 : i32
    "tpu.region"() ({
      %run_scoped3A = tpu.sem_alloc : memref<!tpu.dma_semaphore, #tpu.memory_space<semaphore_mem>>
      %dma_start3A = arith.constant 0 : i32
      %dma_start3A_37 = arith.constant 0 : i32
      %dma_start3A_38 = tpu.memref_slice %arg5[%arg0, %dma_start3A, %dma_start3A_37] : memref<2x10240x128xf32, #tpu.memory_space<hbm>> -> memref<1x10240x128xf32, #tpu.memory_space<hbm>>
      %dma_start3A_39 = tpu.memref_squeeze %dma_start3A_38 : memref<1x10240x128xf32, #tpu.memory_space<hbm>> -> memref<10240x128xf32, #tpu.memory_space<hbm>>
      %dma_start3A_40 = arith.constant 0 : i32
      %dma_start3A_41 = tpu.memref_slice %dma_start3A_39[%mul3A_36, %dma_start3A_40] : memref<10240x128xf32, #tpu.memory_space<hbm>> -> memref<640x128xf32, #tpu.memory_space<hbm>>
      %dma_start3A_42 = arith.constant 0 : i32
      %dma_start3A_43 = tpu.memref_slice %arg9[%mul3A_34, %dma_start3A_42] : memref<10240x128xf32, #tpu.memory_space<vmem_shared>> -> memref<640x128xf32, #tpu.memory_space<vmem_shared>>
      tpu.enqueue_dma source(%dma_start3A_43 : memref<640x128xf32, #tpu.memory_space<vmem_shared>>) target(%dma_start3A_41 : memref<640x128xf32, #tpu.memory_space<hbm>>) target_semaphore(%run_scoped3A : memref<!tpu.dma_semaphore, #tpu.memory_space<semaphore_mem>>)
      %dma_wait3A = arith.constant 0 : i32
      %dma_wait3A_44 = arith.constant 0 : i32
      %dma_wait3A_45 = tpu.memref_slice %arg5[%arg0, %dma_wait3A, %dma_wait3A_44] : memref<2x10240x128xf32, #tpu.memory_space<hbm>> -> memref<1x10240x128xf32, #tpu.memory_space<hbm>>
      %dma_wait3A_46 = tpu.memref_squeeze %dma_wait3A_45 : memref<1x10240x128xf32, #tpu.memory_space<hbm>> -> memref<10240x128xf32, #tpu.memory_space<hbm>>
      %dma_wait3A_47 = arith.constant 0 : i32
      %dma_wait3A_48 = tpu.memref_slice %dma_wait3A_46[%mul3A_36, %dma_wait3A_47] : memref<10240x128xf32, #tpu.memory_space<hbm>> -> memref<640x128xf32, #tpu.memory_space<hbm>>
      %dma_wait3A_49 = arith.constant 0 : i32
      %dma_wait3A_50 = tpu.memref_slice %arg9[%mul3A_34, %dma_wait3A_49] : memref<10240x128xf32, #tpu.memory_space<vmem_shared>> -> memref<640x128xf32, #tpu.memory_space<vmem_shared>>
      tpu.wait_dma2 semaphore(%run_scoped3A : memref<!tpu.dma_semaphore, #tpu.memory_space<semaphore_mem>>) src(%dma_wait3A_50 : memref<640x128xf32, #tpu.memory_space<vmem_shared>>) dst(%dma_wait3A_48 : memref<640x128xf32, #tpu.memory_space<hbm>>)
      tpu.yield
    }) : () -> ()
    return
  }
}

#map = affine_map<(d0, d1) -> (0)>
#map1 = affine_map<(d0, d1) -> (0, 0, 0)>
module attributes {stable_mosaic.version = 14 : i64} {
  func.func @deg_kernel(%arg0: i32, %arg1: i32, %arg2: memref<327680xi32, #tpu.memory_space<hbm>>, %arg3: memref<2x10240x16xf32, #tpu.memory_space<hbm>>, %arg4: memref<128xi32, #tpu.memory_space<vmem>>, %arg5: memref<128x16xf32, #tpu.memory_space<vmem>>, %arg6: memref<10240x16xf32, #tpu.memory_space<vmem_shared>>) attributes {dimension_semantics = [#tpu.dimension_semantics<core_parallel>, #tpu.dimension_semantics<subcore_parallel>], iteration_bounds = array<i64: 2, 16>, scalar_prefetch = 0 : i64, scratch_operands = 3 : i64, tpu.core_type = #tpu.core_type<sc_vector_subcore>, window_params = [{transform_indices = #map}, {transform_indices = #map1}]} {
    %mul3A = arith.constant 16 : i32
    %mul3A_0 = arith.muli %arg0, %mul3A : i32
    %add3A = arith.addi %mul3A_0, %arg1 : i32
    %scan3A = arith.constant 0 : i32
    %scan3A_1 = arith.constant 128 : i32
    %scan3A_2 = arith.addi %scan3A, %scan3A_1 : i32
    %scan3A_3 = arith.constant 1 : i32
    scf.for %scan3A_42 = %scan3A to %scan3A_2 step %scan3A_3  : i32 {
      %mul3A_43 = arith.constant 1 : i32
      %mul3A_44 = arith.muli %scan3A_42, %mul3A_43 : i32
      %add3A_45 = arith.constant 0 : i32
      %add3A_46 = arith.addi %add3A_45, %mul3A_44 : i32
      %broadcast_in_dim3A = arith.constant 0.000000e+00 : f32
      %broadcast_in_dim3A_47 = vector.broadcast %broadcast_in_dim3A : f32 to vector<16xf32>
      %swap3A = arith.index_cast %add3A_46 : i32 to index
      %swap3A_48 = arith.constant 0 : index
      %swap3A_49 = tpu.vector_load %arg5[%swap3A, %swap3A_48] {strides = array<i32>} : memref<128x16xf32, #tpu.memory_space<vmem>>, vector<1x16xf32>,
      %swap3A_50 = vector.shape_cast %swap3A_49 : vector<1x16xf32> to vector<16xf32>
      %swap3A_51 = vector.shape_cast %broadcast_in_dim3A_47 : vector<16xf32> to vector<1x16xf32>
      tpu.vector_store %arg5[%swap3A, %swap3A_48], %swap3A_51 {strides = array<i32>} : memref<128x16xf32, #tpu.memory_space<vmem>>, vector<1x16xf32>,
    }
    %scan3A_4 = arith.constant 128 : i32
    %mul3A_5 = arith.constant 640 : i32
    %mul3A_6 = arith.muli %arg1, %mul3A_5 : i32
    %add3A_7 = arith.constant 0 : i32
    %add3A_8 = arith.addi %mul3A_6, %add3A_7 : i32
    "tpu.region"() ({
      %run_scoped3A = tpu.sem_alloc : memref<!tpu.dma_semaphore, #tpu.memory_space<semaphore_mem>>
      %dma_start3A = arith.constant 0 : i32
      %dma_start3A_42 = tpu.memref_slice %arg6[%add3A_8, %dma_start3A] : memref<10240x16xf32, #tpu.memory_space<vmem_shared>> -> memref<128x16xf32, #tpu.memory_space<vmem_shared>>
      %dma_start3A_43 = arith.constant 0 : i32
      %dma_start3A_44 = tpu.memref_slice %arg6[%add3A_8, %dma_start3A_43] : memref<10240x16xf32, #tpu.memory_space<vmem_shared>> -> memref<128x16xf32, #tpu.memory_space<vmem_shared>>
      tpu.enqueue_dma source(%arg5 : memref<128x16xf32, #tpu.memory_space<vmem>>) target(%dma_start3A_44 : memref<128x16xf32, #tpu.memory_space<vmem_shared>>) target_semaphore(%run_scoped3A : memref<!tpu.dma_semaphore, #tpu.memory_space<semaphore_mem>>)
      %dma_wait3A = arith.constant 0 : i32
      %dma_wait3A_45 = tpu.memref_slice %arg6[%add3A_8, %dma_wait3A] : memref<10240x16xf32, #tpu.memory_space<vmem_shared>> -> memref<128x16xf32, #tpu.memory_space<vmem_shared>>
      %dma_wait3A_46 = arith.constant 0 : i32
      %dma_wait3A_47 = tpu.memref_slice %arg6[%add3A_8, %dma_wait3A_46] : memref<10240x16xf32, #tpu.memory_space<vmem_shared>> -> memref<128x16xf32, #tpu.memory_space<vmem_shared>>
      tpu.wait_dma2 semaphore(%run_scoped3A : memref<!tpu.dma_semaphore, #tpu.memory_space<semaphore_mem>>) src(%arg5 : memref<128x16xf32, #tpu.memory_space<vmem>>) dst(%dma_wait3A_47 : memref<128x16xf32, #tpu.memory_space<vmem_shared>>)
      tpu.yield
    }) : () -> ()
    %mul3A_9 = arith.constant 640 : i32
    %mul3A_10 = arith.muli %arg1, %mul3A_9 : i32
    %add3A_11 = arith.constant 128 : i32
    %add3A_12 = arith.addi %mul3A_10, %add3A_11 : i32
    "tpu.region"() ({
      %run_scoped3A = tpu.sem_alloc : memref<!tpu.dma_semaphore, #tpu.memory_space<semaphore_mem>>
      %dma_start3A = arith.constant 0 : i32
      %dma_start3A_42 = tpu.memref_slice %arg6[%add3A_12, %dma_start3A] : memref<10240x16xf32, #tpu.memory_space<vmem_shared>> -> memref<128x16xf32, #tpu.memory_space<vmem_shared>>
      %dma_start3A_43 = arith.constant 0 : i32
      %dma_start3A_44 = tpu.memref_slice %arg6[%add3A_12, %dma_start3A_43] : memref<10240x16xf32, #tpu.memory_space<vmem_shared>> -> memref<128x16xf32, #tpu.memory_space<vmem_shared>>
      tpu.enqueue_dma source(%arg5 : memref<128x16xf32, #tpu.memory_space<vmem>>) target(%dma_start3A_44 : memref<128x16xf32, #tpu.memory_space<vmem_shared>>) target_semaphore(%run_scoped3A : memref<!tpu.dma_semaphore, #tpu.memory_space<semaphore_mem>>)
      %dma_wait3A = arith.constant 0 : i32
      %dma_wait3A_45 = tpu.memref_slice %arg6[%add3A_12, %dma_wait3A] : memref<10240x16xf32, #tpu.memory_space<vmem_shared>> -> memref<128x16xf32, #tpu.memory_space<vmem_shared>>
      %dma_wait3A_46 = arith.constant 0 : i32
      %dma_wait3A_47 = tpu.memref_slice %arg6[%add3A_12, %dma_wait3A_46] : memref<10240x16xf32, #tpu.memory_space<vmem_shared>> -> memref<128x16xf32, #tpu.memory_space<vmem_shared>>
      tpu.wait_dma2 semaphore(%run_scoped3A : memref<!tpu.dma_semaphore, #tpu.memory_space<semaphore_mem>>) src(%arg5 : memref<128x16xf32, #tpu.memory_space<vmem>>) dst(%dma_wait3A_47 : memref<128x16xf32, #tpu.memory_space<vmem_shared>>)
      tpu.yield
    }) : () -> ()
    %mul3A_13 = arith.constant 640 : i32
    %mul3A_14 = arith.muli %arg1, %mul3A_13 : i32
    %add3A_15 = arith.constant 256 : i32
    %add3A_16 = arith.addi %mul3A_14, %add3A_15 : i32
    "tpu.region"() ({
      %run_scoped3A = tpu.sem_alloc : memref<!tpu.dma_semaphore, #tpu.memory_space<semaphore_mem>>
      %dma_start3A = arith.constant 0 : i32
      %dma_start3A_42 = tpu.memref_slice %arg6[%add3A_16, %dma_start3A] : memref<10240x16xf32, #tpu.memory_space<vmem_shared>> -> memref<128x16xf32, #tpu.memory_space<vmem_shared>>
      %dma_start3A_43 = arith.constant 0 : i32
      %dma_start3A_44 = tpu.memref_slice %arg6[%add3A_16, %dma_start3A_43] : memref<10240x16xf32, #tpu.memory_space<vmem_shared>> -> memref<128x16xf32, #tpu.memory_space<vmem_shared>>
      tpu.enqueue_dma source(%arg5 : memref<128x16xf32, #tpu.memory_space<vmem>>) target(%dma_start3A_44 : memref<128x16xf32, #tpu.memory_space<vmem_shared>>) target_semaphore(%run_scoped3A : memref<!tpu.dma_semaphore, #tpu.memory_space<semaphore_mem>>)
      %dma_wait3A = arith.constant 0 : i32
      %dma_wait3A_45 = tpu.memref_slice %arg6[%add3A_16, %dma_wait3A] : memref<10240x16xf32, #tpu.memory_space<vmem_shared>> -> memref<128x16xf32, #tpu.memory_space<vmem_shared>>
      %dma_wait3A_46 = arith.constant 0 : i32
      %dma_wait3A_47 = tpu.memref_slice %arg6[%add3A_16, %dma_wait3A_46] : memref<10240x16xf32, #tpu.memory_space<vmem_shared>> -> memref<128x16xf32, #tpu.memory_space<vmem_shared>>
      tpu.wait_dma2 semaphore(%run_scoped3A : memref<!tpu.dma_semaphore, #tpu.memory_space<semaphore_mem>>) src(%arg5 : memref<128x16xf32, #tpu.memory_space<vmem>>) dst(%dma_wait3A_47 : memref<128x16xf32, #tpu.memory_space<vmem_shared>>)
      tpu.yield
    }) : () -> ()
    %mul3A_17 = arith.constant 640 : i32
    %mul3A_18 = arith.muli %arg1, %mul3A_17 : i32
    %add3A_19 = arith.constant 384 : i32
    %add3A_20 = arith.addi %mul3A_18, %add3A_19 : i32
    "tpu.region"() ({
      %run_scoped3A = tpu.sem_alloc : memref<!tpu.dma_semaphore, #tpu.memory_space<semaphore_mem>>
      %dma_start3A = arith.constant 0 : i32
      %dma_start3A_42 = tpu.memref_slice %arg6[%add3A_20, %dma_start3A] : memref<10240x16xf32, #tpu.memory_space<vmem_shared>> -> memref<128x16xf32, #tpu.memory_space<vmem_shared>>
      %dma_start3A_43 = arith.constant 0 : i32
      %dma_start3A_44 = tpu.memref_slice %arg6[%add3A_20, %dma_start3A_43] : memref<10240x16xf32, #tpu.memory_space<vmem_shared>> -> memref<128x16xf32, #tpu.memory_space<vmem_shared>>
      tpu.enqueue_dma source(%arg5 : memref<128x16xf32, #tpu.memory_space<vmem>>) target(%dma_start3A_44 : memref<128x16xf32, #tpu.memory_space<vmem_shared>>) target_semaphore(%run_scoped3A : memref<!tpu.dma_semaphore, #tpu.memory_space<semaphore_mem>>)
      %dma_wait3A = arith.constant 0 : i32
      %dma_wait3A_45 = tpu.memref_slice %arg6[%add3A_20, %dma_wait3A] : memref<10240x16xf32, #tpu.memory_space<vmem_shared>> -> memref<128x16xf32, #tpu.memory_space<vmem_shared>>
      %dma_wait3A_46 = arith.constant 0 : i32
      %dma_wait3A_47 = tpu.memref_slice %arg6[%add3A_20, %dma_wait3A_46] : memref<10240x16xf32, #tpu.memory_space<vmem_shared>> -> memref<128x16xf32, #tpu.memory_space<vmem_shared>>
      tpu.wait_dma2 semaphore(%run_scoped3A : memref<!tpu.dma_semaphore, #tpu.memory_space<semaphore_mem>>) src(%arg5 : memref<128x16xf32, #tpu.memory_space<vmem>>) dst(%dma_wait3A_47 : memref<128x16xf32, #tpu.memory_space<vmem_shared>>)
      tpu.yield
    }) : () -> ()
    %mul3A_21 = arith.constant 640 : i32
    %mul3A_22 = arith.muli %arg1, %mul3A_21 : i32
    %add3A_23 = arith.constant 512 : i32
    %add3A_24 = arith.addi %mul3A_22, %add3A_23 : i32
    "tpu.region"() ({
      %run_scoped3A = tpu.sem_alloc : memref<!tpu.dma_semaphore, #tpu.memory_space<semaphore_mem>>
      %dma_start3A = arith.constant 0 : i32
      %dma_start3A_42 = tpu.memref_slice %arg6[%add3A_24, %dma_start3A] : memref<10240x16xf32, #tpu.memory_space<vmem_shared>> -> memref<128x16xf32, #tpu.memory_space<vmem_shared>>
      %dma_start3A_43 = arith.constant 0 : i32
      %dma_start3A_44 = tpu.memref_slice %arg6[%add3A_24, %dma_start3A_43] : memref<10240x16xf32, #tpu.memory_space<vmem_shared>> -> memref<128x16xf32, #tpu.memory_space<vmem_shared>>
      tpu.enqueue_dma source(%arg5 : memref<128x16xf32, #tpu.memory_space<vmem>>) target(%dma_start3A_44 : memref<128x16xf32, #tpu.memory_space<vmem_shared>>) target_semaphore(%run_scoped3A : memref<!tpu.dma_semaphore, #tpu.memory_space<semaphore_mem>>)
      %dma_wait3A = arith.constant 0 : i32
      %dma_wait3A_45 = tpu.memref_slice %arg6[%add3A_24, %dma_wait3A] : memref<10240x16xf32, #tpu.memory_space<vmem_shared>> -> memref<128x16xf32, #tpu.memory_space<vmem_shared>>
      %dma_wait3A_46 = arith.constant 0 : i32
      %dma_wait3A_47 = tpu.memref_slice %arg6[%add3A_24, %dma_wait3A_46] : memref<10240x16xf32, #tpu.memory_space<vmem_shared>> -> memref<128x16xf32, #tpu.memory_space<vmem_shared>>
      tpu.wait_dma2 semaphore(%run_scoped3A : memref<!tpu.dma_semaphore, #tpu.memory_space<semaphore_mem>>) src(%arg5 : memref<128x16xf32, #tpu.memory_space<vmem>>) dst(%dma_wait3A_47 : memref<128x16xf32, #tpu.memory_space<vmem_shared>>)
      tpu.yield
    }) : () -> ()
    %scan3A_25 = arith.constant 0 : i32
    %scan3A_26 = arith.constant 128 : i32
    %scan3A_27 = arith.addi %scan3A_25, %scan3A_26 : i32
    %scan3A_28 = arith.constant 1 : i32
    scf.for %scan3A_42 = %scan3A_25 to %scan3A_27 step %scan3A_28  : i32 {
      %mul3A_43 = arith.constant 1 : i32
      %mul3A_44 = arith.muli %scan3A_42, %mul3A_43 : i32
      %add3A_45 = arith.constant 0 : i32
      %add3A_46 = arith.addi %add3A_45, %mul3A_44 : i32
      %broadcast_in_dim3A = arith.constant 1.000000e+00 : f32
      %broadcast_in_dim3A_47 = vector.broadcast %broadcast_in_dim3A : f32 to vector<16xf32>
      %swap3A = arith.index_cast %add3A_46 : i32 to index
      %swap3A_48 = arith.constant 0 : index
      %swap3A_49 = tpu.vector_load %arg5[%swap3A, %swap3A_48] {strides = array<i32>} : memref<128x16xf32, #tpu.memory_space<vmem>>, vector<1x16xf32>,
      %swap3A_50 = vector.shape_cast %swap3A_49 : vector<1x16xf32> to vector<16xf32>
      %swap3A_51 = vector.shape_cast %broadcast_in_dim3A_47 : vector<16xf32> to vector<1x16xf32>
      tpu.vector_store %arg5[%swap3A, %swap3A_48], %swap3A_51 {strides = array<i32>} : memref<128x16xf32, #tpu.memory_space<vmem>>, vector<1x16xf32>,
    }
    %scan3A_29 = arith.constant 128 : i32
    %barrier3A = arith.constant 0 : index
    tpu.barrier barrier_id(%barrier3A)
    %mul3A_30 = arith.constant 10240 : i32
    %mul3A_31 = arith.muli %add3A, %mul3A_30 : i32
    %scan3A_32 = arith.constant 0 : i32
    %scan3A_33 = arith.constant 80 : i32
    %scan3A_34 = arith.addi %scan3A_32, %scan3A_33 : i32
    %scan3A_35 = arith.constant 1 : i32
    scf.for %scan3A_42 = %scan3A_32 to %scan3A_34 step %scan3A_35  : i32 {
      %mul3A_43 = arith.constant 1 : i32
      %mul3A_44 = arith.muli %scan3A_42, %mul3A_43 : i32
      %add3A_45 = arith.constant 0 : i32
      %add3A_46 = arith.addi %add3A_45, %mul3A_44 : i32
      %mul3A_47 = arith.constant 128 : i32
      %mul3A_48 = arith.muli %add3A_46, %mul3A_47 : i32
      %add3A_49 = arith.addi %mul3A_31, %mul3A_48 : i32
      "tpu.region"() ({
        %run_scoped3A = tpu.sem_alloc : memref<!tpu.dma_semaphore, #tpu.memory_space<semaphore_mem>>
        %dma_start3A = tpu.memref_slice %arg2[%add3A_49] : memref<327680xi32, #tpu.memory_space<hbm>> -> memref<128xi32, #tpu.memory_space<hbm>>
        %dma_start3A_50 = tpu.memref_slice %arg2[%add3A_49] : memref<327680xi32, #tpu.memory_space<hbm>> -> memref<128xi32, #tpu.memory_space<hbm>>
        tpu.enqueue_dma source(%dma_start3A_50 : memref<128xi32, #tpu.memory_space<hbm>>) target(%arg4 : memref<128xi32, #tpu.memory_space<vmem>>) target_semaphore(%run_scoped3A : memref<!tpu.dma_semaphore, #tpu.memory_space<semaphore_mem>>)
        %dma_wait3A = tpu.memref_slice %arg2[%add3A_49] : memref<327680xi32, #tpu.memory_space<hbm>> -> memref<128xi32, #tpu.memory_space<hbm>>
        %dma_wait3A_51 = tpu.memref_slice %arg2[%add3A_49] : memref<327680xi32, #tpu.memory_space<hbm>> -> memref<128xi32, #tpu.memory_space<hbm>>
        tpu.wait_dma2 semaphore(%run_scoped3A : memref<!tpu.dma_semaphore, #tpu.memory_space<semaphore_mem>>) src(%dma_wait3A_51 : memref<128xi32, #tpu.memory_space<hbm>>) dst(%arg4 : memref<128xi32, #tpu.memory_space<vmem>>)
        tpu.yield
      }) : () -> ()
      "tpu.region"() ({
        %run_scoped3A = tpu.sem_alloc : memref<!tpu.dma_semaphore, #tpu.memory_space<semaphore_mem>>
        %dma_start3A = arith.constant 0 : i32
        %dma_start3A_50 = arith.constant 0 : i32
        %dma_start3A_51 = tpu.memref_slice %arg6[%dma_start3A, %dma_start3A_50] : memref<10240x16xf32, #tpu.memory_space<vmem_shared>> -> memref<10240x16xf32, #tpu.memory_space<vmem_shared>>
        tpu.enqueue_indirect_dma source(%arg5 : memref<128x16xf32, #tpu.memory_space<vmem>>) target(%dma_start3A_51 : memref<10240x16xf32, #tpu.memory_space<vmem_shared>>) offsets(%arg4 : memref<128xi32, #tpu.memory_space<vmem>>) semaphore(%run_scoped3A : memref<!tpu.dma_semaphore, #tpu.memory_space<semaphore_mem>>) {add = true}
        %dma_wait3A = arith.constant 0 : i32
        %dma_wait3A_52 = arith.constant 0 : i32
        %dma_wait3A_53 = tpu.memref_slice %arg6[%dma_wait3A, %dma_wait3A_52] : memref<10240x16xf32, #tpu.memory_space<vmem_shared>> -> memref<10240x16xf32, #tpu.memory_space<vmem_shared>>
        tpu.wait_indirect_dma semaphore(%run_scoped3A : memref<!tpu.dma_semaphore, #tpu.memory_space<semaphore_mem>>) src(%arg5 : memref<128x16xf32, #tpu.memory_space<vmem>>) dst(%dma_wait3A_53 : memref<10240x16xf32, #tpu.memory_space<vmem_shared>>)
        tpu.yield
      }) : () -> ()
    }
    %scan3A_36 = arith.constant 80 : i32
    %barrier3A_37 = arith.constant 0 : index
    tpu.barrier barrier_id(%barrier3A_37)
    %mul3A_38 = arith.constant 640 : i32
    %mul3A_39 = arith.muli %arg1, %mul3A_38 : i32
    %mul3A_40 = arith.constant 640 : i32
    %mul3A_41 = arith.muli %arg1, %mul3A_40 : i32
    "tpu.region"() ({
      %run_scoped3A = tpu.sem_alloc : memref<!tpu.dma_semaphore, #tpu.memory_space<semaphore_mem>>
      %dma_start3A = arith.constant 0 : i32
      %dma_start3A_42 = arith.constant 0 : i32
      %dma_start3A_43 = tpu.memref_slice %arg3[%arg0, %dma_start3A, %dma_start3A_42] : memref<2x10240x16xf32, #tpu.memory_space<hbm>> -> memref<1x10240x16xf32, #tpu.memory_space<hbm>>
      %dma_start3A_44 = tpu.memref_squeeze %dma_start3A_43 : memref<1x10240x16xf32, #tpu.memory_space<hbm>> -> memref<10240x16xf32, #tpu.memory_space<hbm>>
      %dma_start3A_45 = arith.constant 0 : i32
      %dma_start3A_46 = tpu.memref_slice %dma_start3A_44[%mul3A_41, %dma_start3A_45] : memref<10240x16xf32, #tpu.memory_space<hbm>> -> memref<640x16xf32, #tpu.memory_space<hbm>>
      %dma_start3A_47 = arith.constant 0 : i32
      %dma_start3A_48 = tpu.memref_slice %arg6[%mul3A_39, %dma_start3A_47] : memref<10240x16xf32, #tpu.memory_space<vmem_shared>> -> memref<640x16xf32, #tpu.memory_space<vmem_shared>>
      tpu.enqueue_dma source(%dma_start3A_48 : memref<640x16xf32, #tpu.memory_space<vmem_shared>>) target(%dma_start3A_46 : memref<640x16xf32, #tpu.memory_space<hbm>>) target_semaphore(%run_scoped3A : memref<!tpu.dma_semaphore, #tpu.memory_space<semaphore_mem>>)
      %dma_wait3A = arith.constant 0 : i32
      %dma_wait3A_49 = arith.constant 0 : i32
      %dma_wait3A_50 = tpu.memref_slice %arg3[%arg0, %dma_wait3A, %dma_wait3A_49] : memref<2x10240x16xf32, #tpu.memory_space<hbm>> -> memref<1x10240x16xf32, #tpu.memory_space<hbm>>
      %dma_wait3A_51 = tpu.memref_squeeze %dma_wait3A_50 : memref<1x10240x16xf32, #tpu.memory_space<hbm>> -> memref<10240x16xf32, #tpu.memory_space<hbm>>
      %dma_wait3A_52 = arith.constant 0 : i32
      %dma_wait3A_53 = tpu.memref_slice %dma_wait3A_51[%mul3A_41, %dma_wait3A_52] : memref<10240x16xf32, #tpu.memory_space<hbm>> -> memref<640x16xf32, #tpu.memory_space<hbm>>
      %dma_wait3A_54 = arith.constant 0 : i32
      %dma_wait3A_55 = tpu.memref_slice %arg6[%mul3A_39, %dma_wait3A_54] : memref<10240x16xf32, #tpu.memory_space<vmem_shared>> -> memref<640x16xf32, #tpu.memory_space<vmem_shared>>
      tpu.wait_dma2 semaphore(%run_scoped3A : memref<!tpu.dma_semaphore, #tpu.memory_space<semaphore_mem>>) src(%dma_wait3A_55 : memref<640x16xf32, #tpu.memory_space<vmem_shared>>) dst(%dma_wait3A_53 : memref<640x16xf32, #tpu.memory_space<hbm>>)
      tpu.yield
    }) : () -> ()
    return
  }
}

#map = affine_map<(d0, d1) -> (0, 0)>
#map1 = affine_map<(d0, d1) -> (0)>
#map2 = affine_map<(d0, d1) -> (0, 0, 0)>
module attributes {stable_mosaic.version = 14 : i64} {
  func.func @agg_kernel(%arg0: i32, %arg1: i32, %arg2: memref<10240x128xf32, #tpu.memory_space<hbm>>, %arg3: memref<327680xi32, #tpu.memory_space<hbm>>, %arg4: memref<327680xi32, #tpu.memory_space<hbm>>, %arg5: memref<2x10240x128xf32, #tpu.memory_space<hbm>>, %arg6: memref<128xi32, #tpu.memory_space<vmem>>, %arg7: memref<128xi32, #tpu.memory_space<vmem>>, %arg8: memref<128x128xf32, #tpu.memory_space<vmem>>, %arg9: memref<10240x128xf32, #tpu.memory_space<vmem_shared>>, %arg10: memref<!tpu.dma_semaphore, #tpu.memory_space<semaphore_mem>>) attributes {dimension_semantics = [#tpu.dimension_semantics<core_parallel>, #tpu.dimension_semantics<subcore_parallel>], iteration_bounds = array<i64: 2, 16>, scalar_prefetch = 0 : i64, scratch_operands = 5 : i64, tpu.core_type = #tpu.core_type<sc_vector_subcore>, window_params = [{transform_indices = #map}, {transform_indices = #map1}, {transform_indices = #map1}, {transform_indices = #map2}]} {
    %mul3A = arith.constant 16 : i32
    %mul3A_0 = arith.muli %arg0, %mul3A : i32
    %add3A = arith.addi %mul3A_0, %arg1 : i32
    %scan3A = arith.constant 0 : i32
    %scan3A_1 = arith.constant 128 : i32
    %scan3A_2 = arith.addi %scan3A, %scan3A_1 : i32
    %scan3A_3 = arith.constant 1 : i32
    scf.for %scan3A_37 = %scan3A to %scan3A_2 step %scan3A_3  : i32 {
      %mul3A_38 = arith.constant 1 : i32
      %mul3A_39 = arith.muli %scan3A_37, %mul3A_38 : i32
      %add3A_40 = arith.constant 0 : i32
      %add3A_41 = arith.addi %add3A_40, %mul3A_39 : i32
      %broadcast_in_dim3A = arith.constant 0.000000e+00 : f32
      %broadcast_in_dim3A_42 = vector.broadcast %broadcast_in_dim3A : f32 to vector<16xf32>
      %swap3A = arith.index_cast %add3A_41 : i32 to index
      %swap3A_43 = arith.constant 0 : index
      %swap3A_44 = tpu.vector_load %arg8[%swap3A, %swap3A_43] {strides = array<i32>} : memref<128x128xf32, #tpu.memory_space<vmem>>, vector<1x16xf32>,
      %swap3A_45 = vector.shape_cast %swap3A_44 : vector<1x16xf32> to vector<16xf32>
      %swap3A_46 = vector.shape_cast %broadcast_in_dim3A_42 : vector<16xf32> to vector<1x16xf32>
      tpu.vector_store %arg8[%swap3A, %swap3A_43], %swap3A_46 {strides = array<i32>} : memref<128x128xf32, #tpu.memory_space<vmem>>, vector<1x16xf32>,
      %broadcast_in_dim3A_47 = arith.constant 0.000000e+00 : f32
      %broadcast_in_dim3A_48 = vector.broadcast %broadcast_in_dim3A_47 : f32 to vector<16xf32>
      %swap3A_49 = arith.index_cast %add3A_41 : i32 to index
      %swap3A_50 = arith.constant 16 : index
      %swap3A_51 = tpu.vector_load %arg8[%swap3A_49, %swap3A_50] {strides = array<i32>} : memref<128x128xf32, #tpu.memory_space<vmem>>, vector<1x16xf32>,
      %swap3A_52 = vector.shape_cast %swap3A_51 : vector<1x16xf32> to vector<16xf32>
      %swap3A_53 = vector.shape_cast %broadcast_in_dim3A_48 : vector<16xf32> to vector<1x16xf32>
      tpu.vector_store %arg8[%swap3A_49, %swap3A_50], %swap3A_53 {strides = array<i32>} : memref<128x128xf32, #tpu.memory_space<vmem>>, vector<1x16xf32>,
      %broadcast_in_dim3A_54 = arith.constant 0.000000e+00 : f32
      %broadcast_in_dim3A_55 = vector.broadcast %broadcast_in_dim3A_54 : f32 to vector<16xf32>
      %swap3A_56 = arith.index_cast %add3A_41 : i32 to index
      %swap3A_57 = arith.constant 32 : index
      %swap3A_58 = tpu.vector_load %arg8[%swap3A_56, %swap3A_57] {strides = array<i32>} : memref<128x128xf32, #tpu.memory_space<vmem>>, vector<1x16xf32>,
      %swap3A_59 = vector.shape_cast %swap3A_58 : vector<1x16xf32> to vector<16xf32>
      %swap3A_60 = vector.shape_cast %broadcast_in_dim3A_55 : vector<16xf32> to vector<1x16xf32>
      tpu.vector_store %arg8[%swap3A_56, %swap3A_57], %swap3A_60 {strides = array<i32>} : memref<128x128xf32, #tpu.memory_space<vmem>>, vector<1x16xf32>,
      %broadcast_in_dim3A_61 = arith.constant 0.000000e+00 : f32
      %broadcast_in_dim3A_62 = vector.broadcast %broadcast_in_dim3A_61 : f32 to vector<16xf32>
      %swap3A_63 = arith.index_cast %add3A_41 : i32 to index
      %swap3A_64 = arith.constant 48 : index
      %swap3A_65 = tpu.vector_load %arg8[%swap3A_63, %swap3A_64] {strides = array<i32>} : memref<128x128xf32, #tpu.memory_space<vmem>>, vector<1x16xf32>,
      %swap3A_66 = vector.shape_cast %swap3A_65 : vector<1x16xf32> to vector<16xf32>
      %swap3A_67 = vector.shape_cast %broadcast_in_dim3A_62 : vector<16xf32> to vector<1x16xf32>
      tpu.vector_store %arg8[%swap3A_63, %swap3A_64], %swap3A_67 {strides = array<i32>} : memref<128x128xf32, #tpu.memory_space<vmem>>, vector<1x16xf32>,
      %broadcast_in_dim3A_68 = arith.constant 0.000000e+00 : f32
      %broadcast_in_dim3A_69 = vector.broadcast %broadcast_in_dim3A_68 : f32 to vector<16xf32>
      %swap3A_70 = arith.index_cast %add3A_41 : i32 to index
      %swap3A_71 = arith.constant 64 : index
      %swap3A_72 = tpu.vector_load %arg8[%swap3A_70, %swap3A_71] {strides = array<i32>} : memref<128x128xf32, #tpu.memory_space<vmem>>, vector<1x16xf32>,
      %swap3A_73 = vector.shape_cast %swap3A_72 : vector<1x16xf32> to vector<16xf32>
      %swap3A_74 = vector.shape_cast %broadcast_in_dim3A_69 : vector<16xf32> to vector<1x16xf32>
      tpu.vector_store %arg8[%swap3A_70, %swap3A_71], %swap3A_74 {strides = array<i32>} : memref<128x128xf32, #tpu.memory_space<vmem>>, vector<1x16xf32>,
      %broadcast_in_dim3A_75 = arith.constant 0.000000e+00 : f32
      %broadcast_in_dim3A_76 = vector.broadcast %broadcast_in_dim3A_75 : f32 to vector<16xf32>
      %swap3A_77 = arith.index_cast %add3A_41 : i32 to index
      %swap3A_78 = arith.constant 80 : index
      %swap3A_79 = tpu.vector_load %arg8[%swap3A_77, %swap3A_78] {strides = array<i32>} : memref<128x128xf32, #tpu.memory_space<vmem>>, vector<1x16xf32>,
      %swap3A_80 = vector.shape_cast %swap3A_79 : vector<1x16xf32> to vector<16xf32>
      %swap3A_81 = vector.shape_cast %broadcast_in_dim3A_76 : vector<16xf32> to vector<1x16xf32>
      tpu.vector_store %arg8[%swap3A_77, %swap3A_78], %swap3A_81 {strides = array<i32>} : memref<128x128xf32, #tpu.memory_space<vmem>>, vector<1x16xf32>,
      %broadcast_in_dim3A_82 = arith.constant 0.000000e+00 : f32
      %broadcast_in_dim3A_83 = vector.broadcast %broadcast_in_dim3A_82 : f32 to vector<16xf32>
      %swap3A_84 = arith.index_cast %add3A_41 : i32 to index
      %swap3A_85 = arith.constant 96 : index
      %swap3A_86 = tpu.vector_load %arg8[%swap3A_84, %swap3A_85] {strides = array<i32>} : memref<128x128xf32, #tpu.memory_space<vmem>>, vector<1x16xf32>,
      %swap3A_87 = vector.shape_cast %swap3A_86 : vector<1x16xf32> to vector<16xf32>
      %swap3A_88 = vector.shape_cast %broadcast_in_dim3A_83 : vector<16xf32> to vector<1x16xf32>
      tpu.vector_store %arg8[%swap3A_84, %swap3A_85], %swap3A_88 {strides = array<i32>} : memref<128x128xf32, #tpu.memory_space<vmem>>, vector<1x16xf32>,
      %broadcast_in_dim3A_89 = arith.constant 0.000000e+00 : f32
      %broadcast_in_dim3A_90 = vector.broadcast %broadcast_in_dim3A_89 : f32 to vector<16xf32>
      %swap3A_91 = arith.index_cast %add3A_41 : i32 to index
      %swap3A_92 = arith.constant 112 : index
      %swap3A_93 = tpu.vector_load %arg8[%swap3A_91, %swap3A_92] {strides = array<i32>} : memref<128x128xf32, #tpu.memory_space<vmem>>, vector<1x16xf32>,
      %swap3A_94 = vector.shape_cast %swap3A_93 : vector<1x16xf32> to vector<16xf32>
      %swap3A_95 = vector.shape_cast %broadcast_in_dim3A_90 : vector<16xf32> to vector<1x16xf32>
      tpu.vector_store %arg8[%swap3A_91, %swap3A_92], %swap3A_95 {strides = array<i32>} : memref<128x128xf32, #tpu.memory_space<vmem>>, vector<1x16xf32>,
    }
    %scan3A_4 = arith.constant 128 : i32
    %mul3A_5 = arith.constant 640 : i32
    %mul3A_6 = arith.muli %arg1, %mul3A_5 : i32
    %add3A_7 = arith.constant 0 : i32
    %add3A_8 = arith.addi %mul3A_6, %add3A_7 : i32
    "tpu.region"() ({
      %run_scoped3A = tpu.sem_alloc : memref<!tpu.dma_semaphore, #tpu.memory_space<semaphore_mem>>
      %dma_start3A = arith.constant 0 : i32
      %dma_start3A_37 = tpu.memref_slice %arg9[%add3A_8, %dma_start3A] : memref<10240x128xf32, #tpu.memory_space<vmem_shared>> -> memref<128x128xf32, #tpu.memory_space<vmem_shared>>
      %dma_start3A_38 = arith.constant 0 : i32
      %dma_start3A_39 = tpu.memref_slice %arg9[%add3A_8, %dma_start3A_38] : memref<10240x128xf32, #tpu.memory_space<vmem_shared>> -> memref<128x128xf32, #tpu.memory_space<vmem_shared>>
      tpu.enqueue_dma source(%arg8 : memref<128x128xf32, #tpu.memory_space<vmem>>) target(%dma_start3A_39 : memref<128x128xf32, #tpu.memory_space<vmem_shared>>) target_semaphore(%run_scoped3A : memref<!tpu.dma_semaphore, #tpu.memory_space<semaphore_mem>>)
      %dma_wait3A = arith.constant 0 : i32
      %dma_wait3A_40 = tpu.memref_slice %arg9[%add3A_8, %dma_wait3A] : memref<10240x128xf32, #tpu.memory_space<vmem_shared>> -> memref<128x128xf32, #tpu.memory_space<vmem_shared>>
      %dma_wait3A_41 = arith.constant 0 : i32
      %dma_wait3A_42 = tpu.memref_slice %arg9[%add3A_8, %dma_wait3A_41] : memref<10240x128xf32, #tpu.memory_space<vmem_shared>> -> memref<128x128xf32, #tpu.memory_space<vmem_shared>>
      tpu.wait_dma2 semaphore(%run_scoped3A : memref<!tpu.dma_semaphore, #tpu.memory_space<semaphore_mem>>) src(%arg8 : memref<128x128xf32, #tpu.memory_space<vmem>>) dst(%dma_wait3A_42 : memref<128x128xf32, #tpu.memory_space<vmem_shared>>)
      tpu.yield
    }) : () -> ()
    %mul3A_9 = arith.constant 640 : i32
    %mul3A_10 = arith.muli %arg1, %mul3A_9 : i32
    %add3A_11 = arith.constant 128 : i32
    %add3A_12 = arith.addi %mul3A_10, %add3A_11 : i32
    "tpu.region"() ({
      %run_scoped3A = tpu.sem_alloc : memref<!tpu.dma_semaphore, #tpu.memory_space<semaphore_mem>>
      %dma_start3A = arith.constant 0 : i32
      %dma_start3A_37 = tpu.memref_slice %arg9[%add3A_12, %dma_start3A] : memref<10240x128xf32, #tpu.memory_space<vmem_shared>> -> memref<128x128xf32, #tpu.memory_space<vmem_shared>>
      %dma_start3A_38 = arith.constant 0 : i32
      %dma_start3A_39 = tpu.memref_slice %arg9[%add3A_12, %dma_start3A_38] : memref<10240x128xf32, #tpu.memory_space<vmem_shared>> -> memref<128x128xf32, #tpu.memory_space<vmem_shared>>
      tpu.enqueue_dma source(%arg8 : memref<128x128xf32, #tpu.memory_space<vmem>>) target(%dma_start3A_39 : memref<128x128xf32, #tpu.memory_space<vmem_shared>>) target_semaphore(%run_scoped3A : memref<!tpu.dma_semaphore, #tpu.memory_space<semaphore_mem>>)
      %dma_wait3A = arith.constant 0 : i32
      %dma_wait3A_40 = tpu.memref_slice %arg9[%add3A_12, %dma_wait3A] : memref<10240x128xf32, #tpu.memory_space<vmem_shared>> -> memref<128x128xf32, #tpu.memory_space<vmem_shared>>
      %dma_wait3A_41 = arith.constant 0 : i32
      %dma_wait3A_42 = tpu.memref_slice %arg9[%add3A_12, %dma_wait3A_41] : memref<10240x128xf32, #tpu.memory_space<vmem_shared>> -> memref<128x128xf32, #tpu.memory_space<vmem_shared>>
      tpu.wait_dma2 semaphore(%run_scoped3A : memref<!tpu.dma_semaphore, #tpu.memory_space<semaphore_mem>>) src(%arg8 : memref<128x128xf32, #tpu.memory_space<vmem>>) dst(%dma_wait3A_42 : memref<128x128xf32, #tpu.memory_space<vmem_shared>>)
      tpu.yield
    }) : () -> ()
    %mul3A_13 = arith.constant 640 : i32
    %mul3A_14 = arith.muli %arg1, %mul3A_13 : i32
    %add3A_15 = arith.constant 256 : i32
    %add3A_16 = arith.addi %mul3A_14, %add3A_15 : i32
    "tpu.region"() ({
      %run_scoped3A = tpu.sem_alloc : memref<!tpu.dma_semaphore, #tpu.memory_space<semaphore_mem>>
      %dma_start3A = arith.constant 0 : i32
      %dma_start3A_37 = tpu.memref_slice %arg9[%add3A_16, %dma_start3A] : memref<10240x128xf32, #tpu.memory_space<vmem_shared>> -> memref<128x128xf32, #tpu.memory_space<vmem_shared>>
      %dma_start3A_38 = arith.constant 0 : i32
      %dma_start3A_39 = tpu.memref_slice %arg9[%add3A_16, %dma_start3A_38] : memref<10240x128xf32, #tpu.memory_space<vmem_shared>> -> memref<128x128xf32, #tpu.memory_space<vmem_shared>>
      tpu.enqueue_dma source(%arg8 : memref<128x128xf32, #tpu.memory_space<vmem>>) target(%dma_start3A_39 : memref<128x128xf32, #tpu.memory_space<vmem_shared>>) target_semaphore(%run_scoped3A : memref<!tpu.dma_semaphore, #tpu.memory_space<semaphore_mem>>)
      %dma_wait3A = arith.constant 0 : i32
      %dma_wait3A_40 = tpu.memref_slice %arg9[%add3A_16, %dma_wait3A] : memref<10240x128xf32, #tpu.memory_space<vmem_shared>> -> memref<128x128xf32, #tpu.memory_space<vmem_shared>>
      %dma_wait3A_41 = arith.constant 0 : i32
      %dma_wait3A_42 = tpu.memref_slice %arg9[%add3A_16, %dma_wait3A_41] : memref<10240x128xf32, #tpu.memory_space<vmem_shared>> -> memref<128x128xf32, #tpu.memory_space<vmem_shared>>
      tpu.wait_dma2 semaphore(%run_scoped3A : memref<!tpu.dma_semaphore, #tpu.memory_space<semaphore_mem>>) src(%arg8 : memref<128x128xf32, #tpu.memory_space<vmem>>) dst(%dma_wait3A_42 : memref<128x128xf32, #tpu.memory_space<vmem_shared>>)
      tpu.yield
    }) : () -> ()
    %mul3A_17 = arith.constant 640 : i32
    %mul3A_18 = arith.muli %arg1, %mul3A_17 : i32
    %add3A_19 = arith.constant 384 : i32
    %add3A_20 = arith.addi %mul3A_18, %add3A_19 : i32
    "tpu.region"() ({
      %run_scoped3A = tpu.sem_alloc : memref<!tpu.dma_semaphore, #tpu.memory_space<semaphore_mem>>
      %dma_start3A = arith.constant 0 : i32
      %dma_start3A_37 = tpu.memref_slice %arg9[%add3A_20, %dma_start3A] : memref<10240x128xf32, #tpu.memory_space<vmem_shared>> -> memref<128x128xf32, #tpu.memory_space<vmem_shared>>
      %dma_start3A_38 = arith.constant 0 : i32
      %dma_start3A_39 = tpu.memref_slice %arg9[%add3A_20, %dma_start3A_38] : memref<10240x128xf32, #tpu.memory_space<vmem_shared>> -> memref<128x128xf32, #tpu.memory_space<vmem_shared>>
      tpu.enqueue_dma source(%arg8 : memref<128x128xf32, #tpu.memory_space<vmem>>) target(%dma_start3A_39 : memref<128x128xf32, #tpu.memory_space<vmem_shared>>) target_semaphore(%run_scoped3A : memref<!tpu.dma_semaphore, #tpu.memory_space<semaphore_mem>>)
      %dma_wait3A = arith.constant 0 : i32
      %dma_wait3A_40 = tpu.memref_slice %arg9[%add3A_20, %dma_wait3A] : memref<10240x128xf32, #tpu.memory_space<vmem_shared>> -> memref<128x128xf32, #tpu.memory_space<vmem_shared>>
      %dma_wait3A_41 = arith.constant 0 : i32
      %dma_wait3A_42 = tpu.memref_slice %arg9[%add3A_20, %dma_wait3A_41] : memref<10240x128xf32, #tpu.memory_space<vmem_shared>> -> memref<128x128xf32, #tpu.memory_space<vmem_shared>>
      tpu.wait_dma2 semaphore(%run_scoped3A : memref<!tpu.dma_semaphore, #tpu.memory_space<semaphore_mem>>) src(%arg8 : memref<128x128xf32, #tpu.memory_space<vmem>>) dst(%dma_wait3A_42 : memref<128x128xf32, #tpu.memory_space<vmem_shared>>)
      tpu.yield
    }) : () -> ()
    %mul3A_21 = arith.constant 640 : i32
    %mul3A_22 = arith.muli %arg1, %mul3A_21 : i32
    %add3A_23 = arith.constant 512 : i32
    %add3A_24 = arith.addi %mul3A_22, %add3A_23 : i32
    "tpu.region"() ({
      %run_scoped3A = tpu.sem_alloc : memref<!tpu.dma_semaphore, #tpu.memory_space<semaphore_mem>>
      %dma_start3A = arith.constant 0 : i32
      %dma_start3A_37 = tpu.memref_slice %arg9[%add3A_24, %dma_start3A] : memref<10240x128xf32, #tpu.memory_space<vmem_shared>> -> memref<128x128xf32, #tpu.memory_space<vmem_shared>>
      %dma_start3A_38 = arith.constant 0 : i32
      %dma_start3A_39 = tpu.memref_slice %arg9[%add3A_24, %dma_start3A_38] : memref<10240x128xf32, #tpu.memory_space<vmem_shared>> -> memref<128x128xf32, #tpu.memory_space<vmem_shared>>
      tpu.enqueue_dma source(%arg8 : memref<128x128xf32, #tpu.memory_space<vmem>>) target(%dma_start3A_39 : memref<128x128xf32, #tpu.memory_space<vmem_shared>>) target_semaphore(%run_scoped3A : memref<!tpu.dma_semaphore, #tpu.memory_space<semaphore_mem>>)
      %dma_wait3A = arith.constant 0 : i32
      %dma_wait3A_40 = tpu.memref_slice %arg9[%add3A_24, %dma_wait3A] : memref<10240x128xf32, #tpu.memory_space<vmem_shared>> -> memref<128x128xf32, #tpu.memory_space<vmem_shared>>
      %dma_wait3A_41 = arith.constant 0 : i32
      %dma_wait3A_42 = tpu.memref_slice %arg9[%add3A_24, %dma_wait3A_41] : memref<10240x128xf32, #tpu.memory_space<vmem_shared>> -> memref<128x128xf32, #tpu.memory_space<vmem_shared>>
      tpu.wait_dma2 semaphore(%run_scoped3A : memref<!tpu.dma_semaphore, #tpu.memory_space<semaphore_mem>>) src(%arg8 : memref<128x128xf32, #tpu.memory_space<vmem>>) dst(%dma_wait3A_42 : memref<128x128xf32, #tpu.memory_space<vmem_shared>>)
      tpu.yield
    }) : () -> ()
    %barrier3A = arith.constant 0 : index
    tpu.barrier barrier_id(%barrier3A)
    %mul3A_25 = arith.constant 10240 : i32
    %mul3A_26 = arith.muli %add3A, %mul3A_25 : i32
    %scan3A_27 = arith.constant 0 : i32
    %scan3A_28 = arith.constant 80 : i32
    %scan3A_29 = arith.addi %scan3A_27, %scan3A_28 : i32
    %scan3A_30 = arith.constant 1 : i32
    scf.for %scan3A_37 = %scan3A_27 to %scan3A_29 step %scan3A_30  : i32 {
      %mul3A_38 = arith.constant 1 : i32
      %mul3A_39 = arith.muli %scan3A_37, %mul3A_38 : i32
      %add3A_40 = arith.constant 0 : i32
      %add3A_41 = arith.addi %add3A_40, %mul3A_39 : i32
      %mul3A_42 = arith.constant 128 : i32
      %mul3A_43 = arith.muli %add3A_41, %mul3A_42 : i32
      %add3A_44 = arith.addi %mul3A_26, %mul3A_43 : i32
      "tpu.region"() ({
        %run_scoped3A = tpu.sem_alloc : memref<!tpu.dma_semaphore, #tpu.memory_space<semaphore_mem>>
        %dma_start3A_52 = tpu.memref_slice %arg3[%add3A_44] : memref<327680xi32, #tpu.memory_space<hbm>> -> memref<128xi32, #tpu.memory_space<hbm>>
        %dma_start3A_53 = tpu.memref_slice %arg3[%add3A_44] : memref<327680xi32, #tpu.memory_space<hbm>> -> memref<128xi32, #tpu.memory_space<hbm>>
        tpu.enqueue_dma source(%dma_start3A_53 : memref<128xi32, #tpu.memory_space<hbm>>) target(%arg6 : memref<128xi32, #tpu.memory_space<vmem>>) target_semaphore(%run_scoped3A : memref<!tpu.dma_semaphore, #tpu.memory_space<semaphore_mem>>)
        %dma_wait3A_54 = tpu.memref_slice %arg3[%add3A_44] : memref<327680xi32, #tpu.memory_space<hbm>> -> memref<128xi32, #tpu.memory_space<hbm>>
        %dma_wait3A_55 = tpu.memref_slice %arg3[%add3A_44] : memref<327680xi32, #tpu.memory_space<hbm>> -> memref<128xi32, #tpu.memory_space<hbm>>
        tpu.wait_dma2 semaphore(%run_scoped3A : memref<!tpu.dma_semaphore, #tpu.memory_space<semaphore_mem>>) src(%dma_wait3A_55 : memref<128xi32, #tpu.memory_space<hbm>>) dst(%arg6 : memref<128xi32, #tpu.memory_space<vmem>>)
        tpu.yield
      }) : () -> ()
      %mul3A_45 = arith.constant 128 : i32
      %mul3A_46 = arith.muli %add3A_41, %mul3A_45 : i32
      %add3A_47 = arith.addi %mul3A_26, %mul3A_46 : i32
      "tpu.region"() ({
        %run_scoped3A = tpu.sem_alloc : memref<!tpu.dma_semaphore, #tpu.memory_space<semaphore_mem>>
        %dma_start3A_52 = tpu.memref_slice %arg4[%add3A_47] : memref<327680xi32, #tpu.memory_space<hbm>> -> memref<128xi32, #tpu.memory_space<hbm>>
        %dma_start3A_53 = tpu.memref_slice %arg4[%add3A_47] : memref<327680xi32, #tpu.memory_space<hbm>> -> memref<128xi32, #tpu.memory_space<hbm>>
        tpu.enqueue_dma source(%dma_start3A_53 : memref<128xi32, #tpu.memory_space<hbm>>) target(%arg7 : memref<128xi32, #tpu.memory_space<vmem>>) target_semaphore(%run_scoped3A : memref<!tpu.dma_semaphore, #tpu.memory_space<semaphore_mem>>)
        %dma_wait3A_54 = tpu.memref_slice %arg4[%add3A_47] : memref<327680xi32, #tpu.memory_space<hbm>> -> memref<128xi32, #tpu.memory_space<hbm>>
        %dma_wait3A_55 = tpu.memref_slice %arg4[%add3A_47] : memref<327680xi32, #tpu.memory_space<hbm>> -> memref<128xi32, #tpu.memory_space<hbm>>
        tpu.wait_dma2 semaphore(%run_scoped3A : memref<!tpu.dma_semaphore, #tpu.memory_space<semaphore_mem>>) src(%dma_wait3A_55 : memref<128xi32, #tpu.memory_space<hbm>>) dst(%arg7 : memref<128xi32, #tpu.memory_space<vmem>>)
        tpu.yield
      }) : () -> ()
      %dma_start3A = arith.constant 0 : i32
      %dma_start3A_48 = arith.constant 0 : i32
      %dma_start3A_49 = tpu.memref_slice %arg2[%dma_start3A, %dma_start3A_48] : memref<10240x128xf32, #tpu.memory_space<hbm>> -> memref<10240x128xf32, #tpu.memory_space<hbm>>
      tpu.enqueue_indirect_dma source(%dma_start3A_49 : memref<10240x128xf32, #tpu.memory_space<hbm>>) target(%arg8 : memref<128x128xf32, #tpu.memory_space<vmem>>) offsets(%arg6 : memref<128xi32, #tpu.memory_space<vmem>>) semaphore(%arg10 : memref<!tpu.dma_semaphore, #tpu.memory_space<semaphore_mem>>)
      %dma_wait3A = arith.constant 0 : i32
      %dma_wait3A_50 = arith.constant 0 : i32
      %dma_wait3A_51 = tpu.memref_slice %arg2[%dma_wait3A, %dma_wait3A_50] : memref<10240x128xf32, #tpu.memory_space<hbm>> -> memref<10240x128xf32, #tpu.memory_space<hbm>>
      tpu.wait_indirect_dma semaphore(%arg10 : memref<!tpu.dma_semaphore, #tpu.memory_space<semaphore_mem>>) src(%dma_wait3A_51 : memref<10240x128xf32, #tpu.memory_space<hbm>>) dst(%arg8 : memref<128x128xf32, #tpu.memory_space<vmem>>)
      "tpu.region"() ({
        %run_scoped3A = tpu.sem_alloc : memref<!tpu.dma_semaphore, #tpu.memory_space<semaphore_mem>>
        %dma_start3A_52 = arith.constant 0 : i32
        %dma_start3A_53 = arith.constant 0 : i32
        %dma_start3A_54 = tpu.memref_slice %arg9[%dma_start3A_52, %dma_start3A_53] : memref<10240x128xf32, #tpu.memory_space<vmem_shared>> -> memref<10240x128xf32, #tpu.memory_space<vmem_shared>>
        tpu.enqueue_indirect_dma source(%arg8 : memref<128x128xf32, #tpu.memory_space<vmem>>) target(%dma_start3A_54 : memref<10240x128xf32, #tpu.memory_space<vmem_shared>>) offsets(%arg7 : memref<128xi32, #tpu.memory_space<vmem>>) semaphore(%run_scoped3A : memref<!tpu.dma_semaphore, #tpu.memory_space<semaphore_mem>>) {add = true}
        %dma_wait3A_55 = arith.constant 0 : i32
        %dma_wait3A_56 = arith.constant 0 : i32
        %dma_wait3A_57 = tpu.memref_slice %arg9[%dma_wait3A_55, %dma_wait3A_56] : memref<10240x128xf32, #tpu.memory_space<vmem_shared>> -> memref<10240x128xf32, #tpu.memory_space<vmem_shared>>
        tpu.wait_indirect_dma semaphore(%run_scoped3A : memref<!tpu.dma_semaphore, #tpu.memory_space<semaphore_mem>>) src(%arg8 : memref<128x128xf32, #tpu.memory_space<vmem>>) dst(%dma_wait3A_57 : memref<10240x128xf32, #tpu.memory_space<vmem_shared>>)
        tpu.yield
      }) : () -> ()
    }
    %scan3A_31 = arith.constant 80 : i32
    %barrier3A_32 = arith.constant 0 : index
    tpu.barrier barrier_id(%barrier3A_32)
    %mul3A_33 = arith.constant 640 : i32
    %mul3A_34 = arith.muli %arg1, %mul3A_33 : i32
    %mul3A_35 = arith.constant 640 : i32
    %mul3A_36 = arith.muli %arg1, %mul3A_35 : i32
    "tpu.region"() ({
      %run_scoped3A = tpu.sem_alloc : memref<!tpu.dma_semaphore, #tpu.memory_space<semaphore_mem>>
      %dma_start3A = arith.constant 0 : i32
      %dma_start3A_37 = arith.constant 0 : i32
      %dma_start3A_38 = tpu.memref_slice %arg5[%arg0, %dma_start3A, %dma_start3A_37] : memref<2x10240x128xf32, #tpu.memory_space<hbm>> -> memref<1x10240x128xf32, #tpu.memory_space<hbm>>
      %dma_start3A_39 = tpu.memref_squeeze %dma_start3A_38 : memref<1x10240x128xf32, #tpu.memory_space<hbm>> -> memref<10240x128xf32, #tpu.memory_space<hbm>>
      %dma_start3A_40 = arith.constant 0 : i32
      %dma_start3A_41 = tpu.memref_slice %dma_start3A_39[%mul3A_36, %dma_start3A_40] : memref<10240x128xf32, #tpu.memory_space<hbm>> -> memref<640x128xf32, #tpu.memory_space<hbm>>
      %dma_start3A_42 = arith.constant 0 : i32
      %dma_start3A_43 = tpu.memref_slice %arg9[%mul3A_34, %dma_start3A_42] : memref<10240x128xf32, #tpu.memory_space<vmem_shared>> -> memref<640x128xf32, #tpu.memory_space<vmem_shared>>
      tpu.enqueue_dma source(%dma_start3A_43 : memref<640x128xf32, #tpu.memory_space<vmem_shared>>) target(%dma_start3A_41 : memref<640x128xf32, #tpu.memory_space<hbm>>) target_semaphore(%run_scoped3A : memref<!tpu.dma_semaphore, #tpu.memory_space<semaphore_mem>>)
      %dma_wait3A = arith.constant 0 : i32
      %dma_wait3A_44 = arith.constant 0 : i32
      %dma_wait3A_45 = tpu.memref_slice %arg5[%arg0, %dma_wait3A, %dma_wait3A_44] : memref<2x10240x128xf32, #tpu.memory_space<hbm>> -> memref<1x10240x128xf32, #tpu.memory_space<hbm>>
      %dma_wait3A_46 = tpu.memref_squeeze %dma_wait3A_45 : memref<1x10240x128xf32, #tpu.memory_space<hbm>> -> memref<10240x128xf32, #tpu.memory_space<hbm>>
      %dma_wait3A_47 = arith.constant 0 : i32
      %dma_wait3A_48 = tpu.memref_slice %dma_wait3A_46[%mul3A_36, %dma_wait3A_47] : memref<10240x128xf32, #tpu.memory_space<hbm>> -> memref<640x128xf32, #tpu.memory_space<hbm>>
      %dma_wait3A_49 = arith.constant 0 : i32
      %dma_wait3A_50 = tpu.memref_slice %arg9[%mul3A_34, %dma_wait3A_49] : memref<10240x128xf32, #tpu.memory_space<vmem_shared>> -> memref<640x128xf32, #tpu.memory_space<vmem_shared>>
      tpu.wait_dma2 semaphore(%run_scoped3A : memref<!tpu.dma_semaphore, #tpu.memory_space<semaphore_mem>>) src(%dma_wait3A_50 : memref<640x128xf32, #tpu.memory_space<vmem_shared>>) dst(%dma_wait3A_48 : memref<640x128xf32, #tpu.memory_space<hbm>>)
      tpu.yield
    }) : () -> ()
    return
  }
}

module attributes {stable_mosaic.version = 14 : i64} {
  func.func @body(%arg0: i32, %arg1: memref<1024x128xf32, #tpu.memory_space<vmem>>, %arg2: memref<128x128xf32, #tpu.memory_space<vmem>>, %arg3: memref<1x1024x16xf32, #tpu.memory_space<vmem>>, %arg4: memref<1x1024x16xf32, #tpu.memory_space<vmem>>, %arg5: memref<1024x128xf32, #tpu.memory_space<vmem>>) attributes {dimension_semantics = [#tpu.dimension_semantics<arbitrary>], iteration_bounds = array<i64: 10>, scalar_prefetch = 0 : i64, scratch_operands = 0 : i64, tpu.core_type = #tpu.core_type<tc>, window_params = [{transform_indices = @transform_0, window_bounds = array<i64: 1024, 128>}, {pipeline_mode = #tpu.pipeline_mode<synchronous>, transform_indices = @transform_1, window_bounds = array<i64: 128, 128>}, {transform_indices = @transform_2, window_bounds = array<i64: 1, 1024, 16>}, {transform_indices = @transform_3, window_bounds = array<i64: 1, 1024, 16>}, {transform_indices = @transform_4, window_bounds = array<i64: 1024, 128>}]} {
    %get3A = arith.constant 0 : index
    %get3A_0 = arith.constant 0 : index
    %get3A_1 = arith.constant 0 : index
    %get3A_2 = vector.load %arg3[%get3A, %get3A_0, %get3A_1] : memref<1x1024x16xf32, #tpu.memory_space<vmem>>, vector<1x1024x16xf32>
    %get3A_3 = vector.shape_cast %get3A_2 : vector<1x1024x16xf32> to vector<1024x16xf32>
    %slice3A = vector.extract_strided_slice %get3A_3 {offsets = [0, 0], sizes = [1024, 1], strides = [1, 1]} : vector<1024x16xf32> to vector<1024x1xf32>
    %get3A_4 = arith.constant 0 : index
    %get3A_5 = arith.constant 0 : index
    %get3A_6 = arith.constant 0 : index
    %get3A_7 = vector.load %arg4[%get3A_4, %get3A_5, %get3A_6] : memref<1x1024x16xf32, #tpu.memory_space<vmem>>, vector<1x1024x16xf32>
    %get3A_8 = vector.shape_cast %get3A_7 : vector<1x1024x16xf32> to vector<1024x16xf32>
    %slice3A_9 = vector.extract_strided_slice %get3A_8 {offsets = [0, 0], sizes = [1024, 1], strides = [1, 1]} : vector<1024x16xf32> to vector<1024x1xf32>
    %add3A = arith.addf %slice3A, %slice3A_9 : vector<1024x1xf32>
    %add3A_10 = arith.constant 1.000000e+00 : f32
    %add3A_11 = vector.broadcast %add3A_10 : f32 to vector<1024x1xf32>
    %add3A_12 = arith.addf %add3A, %add3A_11 : vector<1024x1xf32>
    %rsqrt3A = math.rsqrt %add3A_12 : vector<1024x1xf32>
    %get3A_13 = arith.constant 0 : index
    %get3A_14 = arith.constant 0 : index
    %get3A_15 = vector.load %arg1[%get3A_13, %get3A_14] : memref<1024x128xf32, #tpu.memory_space<vmem>>, vector<1024x128xf32>
    %get3A_16 = arith.constant 0 : index
    %get3A_17 = arith.constant 0 : index
    %get3A_18 = vector.load %arg2[%get3A_16, %get3A_17] : memref<128x128xf32, #tpu.memory_space<vmem>>, vector<128x128xf32>
    %dot_general3A = arith.constant dense<0.000000e+00> : vector<1024x128xf32>
    %dot_general3A_19 = tpu.matmul %get3A_15, %get3A_18, %dot_general3A {dimension_numbers = #tpu.dot_dimension_numbers<[1], [0], [0], [1], [0, 0, 1, 1], [], []>, precision = #tpu.contract_precision<fp32>, transpose_lhs_hint = false} : vector<1024x128xf32>, vector<128x128xf32>, vector<1024x128xf32> -> vector<1024x128xf32>
    %mul3A = vector.broadcast %rsqrt3A : vector<1024x1xf32> to vector<1024x128xf32>
    %mul3A_20 = arith.mulf %dot_general3A_19, %mul3A : vector<1024x128xf32>
    %swap3A = arith.constant 0 : index
    %swap3A_21 = arith.constant 0 : index
    %swap3A_22 = vector.load %arg5[%swap3A, %swap3A_21] : memref<1024x128xf32, #tpu.memory_space<vmem>>, vector<1024x128xf32>
    tpu.vector_store %arg5[%swap3A, %swap3A_21], %mul3A_20 {strides = array<i32>} : memref<1024x128xf32, #tpu.memory_space<vmem>>, vector<1024x128xf32>,
    return
  }
  func.func @transform_0(%arg0: i32) -> (i32, i32) {
    %c0_i32 = arith.constant 0 : i32
    %c0_i32_0 = arith.constant 0 : i32
    return %arg0, %c0_i32 : i32, i32
  }
  func.func @transform_1(%arg0: i32) -> (i32, i32) {
    %c0_i32 = arith.constant 0 : i32
    %c0_i32_0 = arith.constant 0 : i32
    %c0_i32_1 = arith.constant 0 : i32
    return %c0_i32, %c0_i32_0 : i32, i32
  }
  func.func @transform_2(%arg0: i32) -> (i32, i32, i32) {
    %c0_i32 = arith.constant 0 : i32
    %c0_i32_0 = arith.constant 0 : i32
    %c0_i32_1 = arith.constant 0 : i32
    return %c0_i32, %arg0, %c0_i32_0 : i32, i32, i32
  }
  func.func @transform_3(%arg0: i32) -> (i32, i32, i32) {
    %c1_i32 = arith.constant 1 : i32
    %c0_i32 = arith.constant 0 : i32
    %c0_i32_0 = arith.constant 0 : i32
    return %c1_i32, %arg0, %c0_i32 : i32, i32, i32
  }
  func.func @transform_4(%arg0: i32) -> (i32, i32) {
    %c0_i32 = arith.constant 0 : i32
    %c0_i32_0 = arith.constant 0 : i32
    return %arg0, %c0_i32 : i32, i32
  }
}

module attributes {stable_mosaic.version = 14 : i64} {
  func.func @body(%arg0: i32, %arg1: memref<1x1024x128xf32, #tpu.memory_space<vmem>>, %arg2: memref<1x1024x128xf32, #tpu.memory_space<vmem>>, %arg3: memref<1024x128xf32, #tpu.memory_space<vmem>>, %arg4: memref<1x1024x16xf32, #tpu.memory_space<vmem>>, %arg5: memref<1x1024x16xf32, #tpu.memory_space<vmem>>, %arg6: memref<1x128xf32, #tpu.memory_space<vmem>>, %arg7: memref<128x128xf32, #tpu.memory_space<vmem>>, %arg8: memref<1024x128xf32, #tpu.memory_space<vmem>>) attributes {dimension_semantics = [#tpu.dimension_semantics<arbitrary>], iteration_bounds = array<i64: 10>, scalar_prefetch = 0 : i64, scratch_operands = 0 : i64, tpu.core_type = #tpu.core_type<tc>, window_params = [{transform_indices = @transform_0, window_bounds = array<i64: 1, 1024, 128>}, {transform_indices = @transform_1, window_bounds = array<i64: 1, 1024, 128>}, {transform_indices = @transform_2, window_bounds = array<i64: 1024, 128>}, {transform_indices = @transform_3, window_bounds = array<i64: 1, 1024, 16>}, {transform_indices = @transform_4, window_bounds = array<i64: 1, 1024, 16>}, {pipeline_mode = #tpu.pipeline_mode<synchronous>, transform_indices = @transform_5, window_bounds = array<i64: 1, 128>}, {pipeline_mode = #tpu.pipeline_mode<synchronous>, transform_indices = @transform_6, window_bounds = array<i64: 128, 128>}, {transform_indices = @transform_7, window_bounds = array<i64: 1024, 128>}]} {
    %get3A = arith.constant 0 : index
    %get3A_0 = arith.constant 0 : index
    %get3A_1 = arith.constant 0 : index
    %get3A_2 = vector.load %arg4[%get3A, %get3A_0, %get3A_1] : memref<1x1024x16xf32, #tpu.memory_space<vmem>>, vector<1x1024x16xf32>
    %get3A_3 = vector.shape_cast %get3A_2 : vector<1x1024x16xf32> to vector<1024x16xf32>
    %slice3A = vector.extract_strided_slice %get3A_3 {offsets = [0, 0], sizes = [1024, 1], strides = [1, 1]} : vector<1024x16xf32> to vector<1024x1xf32>
    %get3A_4 = arith.constant 0 : index
    %get3A_5 = arith.constant 0 : index
    %get3A_6 = arith.constant 0 : index
    %get3A_7 = vector.load %arg5[%get3A_4, %get3A_5, %get3A_6] : memref<1x1024x16xf32, #tpu.memory_space<vmem>>, vector<1x1024x16xf32>
    %get3A_8 = vector.shape_cast %get3A_7 : vector<1x1024x16xf32> to vector<1024x16xf32>
    %slice3A_9 = vector.extract_strided_slice %get3A_8 {offsets = [0, 0], sizes = [1024, 1], strides = [1, 1]} : vector<1024x16xf32> to vector<1024x1xf32>
    %add3A = arith.addf %slice3A, %slice3A_9 : vector<1024x1xf32>
    %add3A_10 = arith.constant 1.000000e+00 : f32
    %add3A_11 = vector.broadcast %add3A_10 : f32 to vector<1024x1xf32>
    %add3A_12 = arith.addf %add3A, %add3A_11 : vector<1024x1xf32>
    %rsqrt3A = math.rsqrt %add3A_12 : vector<1024x1xf32>
    %get3A_13 = arith.constant 0 : index
    %get3A_14 = arith.constant 0 : index
    %get3A_15 = arith.constant 0 : index
    %get3A_16 = vector.load %arg1[%get3A_13, %get3A_14, %get3A_15] : memref<1x1024x128xf32, #tpu.memory_space<vmem>>, vector<1x1024x128xf32>
    %get3A_17 = vector.shape_cast %get3A_16 : vector<1x1024x128xf32> to vector<1024x128xf32>
    %get3A_18 = arith.constant 0 : index
    %get3A_19 = arith.constant 0 : index
    %get3A_20 = arith.constant 0 : index
    %get3A_21 = vector.load %arg2[%get3A_18, %get3A_19, %get3A_20] : memref<1x1024x128xf32, #tpu.memory_space<vmem>>, vector<1x1024x128xf32>
    %get3A_22 = vector.shape_cast %get3A_21 : vector<1x1024x128xf32> to vector<1024x128xf32>
    %add3A_23 = arith.addf %get3A_17, %get3A_22 : vector<1024x128xf32>
    %get3A_24 = arith.constant 0 : index
    %get3A_25 = arith.constant 0 : index
    %get3A_26 = vector.load %arg3[%get3A_24, %get3A_25] : memref<1024x128xf32, #tpu.memory_space<vmem>>, vector<1024x128xf32>
    %add3A_27 = arith.addf %add3A_23, %get3A_26 : vector<1024x128xf32>
    %mul3A = vector.broadcast %rsqrt3A : vector<1024x1xf32> to vector<1024x128xf32>
    %mul3A_28 = arith.mulf %add3A_27, %mul3A : vector<1024x128xf32>
    %get3A_29 = arith.constant 0 : index
    %get3A_30 = arith.constant 0 : index
    %get3A_31 = vector.load %arg6[%get3A_29, %get3A_30] : memref<1x128xf32, #tpu.memory_space<vmem>>, vector<1x128xf32>
    %add3A_32 = vector.broadcast %get3A_31 : vector<1x128xf32> to vector<1024x128xf32>
    %add3A_33 = arith.addf %mul3A_28, %add3A_32 : vector<1024x128xf32>
    %max3A = arith.constant 0.000000e+00 : f32
    %max3A_34 = vector.broadcast %max3A : f32 to vector<1024x128xf32>
    %max3A_35 = arith.maximumf %add3A_33, %max3A_34 : vector<1024x128xf32>
    %get3A_36 = arith.constant 0 : index
    %get3A_37 = arith.constant 0 : index
    %get3A_38 = vector.load %arg7[%get3A_36, %get3A_37] : memref<128x128xf32, #tpu.memory_space<vmem>>, vector<128x128xf32>
    %dot_general3A = arith.constant dense<0.000000e+00> : vector<1024x128xf32>
    %dot_general3A_39 = tpu.matmul %max3A_35, %get3A_38, %dot_general3A {dimension_numbers = #tpu.dot_dimension_numbers<[1], [0], [0], [1], [0, 0, 1, 1], [], []>, precision = #tpu.contract_precision<fp32>, transpose_lhs_hint = false} : vector<1024x128xf32>, vector<128x128xf32>, vector<1024x128xf32> -> vector<1024x128xf32>
    %mul3A_40 = vector.broadcast %rsqrt3A : vector<1024x1xf32> to vector<1024x128xf32>
    %mul3A_41 = arith.mulf %dot_general3A_39, %mul3A_40 : vector<1024x128xf32>
    %swap3A = arith.constant 0 : index
    %swap3A_42 = arith.constant 0 : index
    %swap3A_43 = vector.load %arg8[%swap3A, %swap3A_42] : memref<1024x128xf32, #tpu.memory_space<vmem>>, vector<1024x128xf32>
    tpu.vector_store %arg8[%swap3A, %swap3A_42], %mul3A_41 {strides = array<i32>} : memref<1024x128xf32, #tpu.memory_space<vmem>>, vector<1024x128xf32>,
    return
  }
  func.func @transform_0(%arg0: i32) -> (i32, i32, i32) {
    %c0_i32 = arith.constant 0 : i32
    %c0_i32_0 = arith.constant 0 : i32
    %c0_i32_1 = arith.constant 0 : i32
    return %c0_i32, %arg0, %c0_i32_0 : i32, i32, i32
  }
  func.func @transform_1(%arg0: i32) -> (i32, i32, i32) {
    %c1_i32 = arith.constant 1 : i32
    %c0_i32 = arith.constant 0 : i32
    %c0_i32_0 = arith.constant 0 : i32
    return %c1_i32, %arg0, %c0_i32 : i32, i32, i32
  }
  func.func @transform_2(%arg0: i32) -> (i32, i32) {
    %c0_i32 = arith.constant 0 : i32
    %c0_i32_0 = arith.constant 0 : i32
    return %arg0, %c0_i32 : i32, i32
  }
  func.func @transform_3(%arg0: i32) -> (i32, i32, i32) {
    %c0_i32 = arith.constant 0 : i32
    %c0_i32_0 = arith.constant 0 : i32
    %c0_i32_1 = arith.constant 0 : i32
    return %c0_i32, %arg0, %c0_i32_0 : i32, i32, i32
  }
  func.func @transform_4(%arg0: i32) -> (i32, i32, i32) {
    %c1_i32 = arith.constant 1 : i32
    %c0_i32 = arith.constant 0 : i32
    %c0_i32_0 = arith.constant 0 : i32
    return %c1_i32, %arg0, %c0_i32 : i32, i32, i32
  }
  func.func @transform_5(%arg0: i32) -> (i32, i32) {
    %c0_i32 = arith.constant 0 : i32
    %c0_i32_0 = arith.constant 0 : i32
    %c0_i32_1 = arith.constant 0 : i32
    return %c0_i32, %c0_i32_0 : i32, i32
  }
  func.func @transform_6(%arg0: i32) -> (i32, i32) {
    %c0_i32 = arith.constant 0 : i32
    %c0_i32_0 = arith.constant 0 : i32
    %c0_i32_1 = arith.constant 0 : i32
    return %c0_i32, %c0_i32_0 : i32, i32
  }
  func.func @transform_7(%arg0: i32) -> (i32, i32) {
    %c0_i32 = arith.constant 0 : i32
    %c0_i32_0 = arith.constant 0 : i32
    return %arg0, %c0_i32 : i32, i32
  }
}

module attributes {stable_mosaic.version = 14 : i64} {
  func.func @body(%arg0: i32, %arg1: memref<1x1024x128xf32, #tpu.memory_space<vmem>>, %arg2: memref<1x1024x128xf32, #tpu.memory_space<vmem>>, %arg3: memref<1024x128xf32, #tpu.memory_space<vmem>>, %arg4: memref<1x1024x16xf32, #tpu.memory_space<vmem>>, %arg5: memref<1x1024x16xf32, #tpu.memory_space<vmem>>, %arg6: memref<1x128xf32, #tpu.memory_space<vmem>>, %arg7: memref<1024x128xf32, #tpu.memory_space<vmem>>) attributes {dimension_semantics = [#tpu.dimension_semantics<arbitrary>], iteration_bounds = array<i64: 10>, scalar_prefetch = 0 : i64, scratch_operands = 0 : i64, tpu.core_type = #tpu.core_type<tc>, window_params = [{transform_indices = @transform_0, window_bounds = array<i64: 1, 1024, 128>}, {transform_indices = @transform_1, window_bounds = array<i64: 1, 1024, 128>}, {transform_indices = @transform_2, window_bounds = array<i64: 1024, 128>}, {transform_indices = @transform_3, window_bounds = array<i64: 1, 1024, 16>}, {transform_indices = @transform_4, window_bounds = array<i64: 1, 1024, 16>}, {pipeline_mode = #tpu.pipeline_mode<synchronous>, transform_indices = @transform_5, window_bounds = array<i64: 1, 128>}, {transform_indices = @transform_6, window_bounds = array<i64: 1024, 128>}]} {
    %get3A = arith.constant 0 : index
    %get3A_0 = arith.constant 0 : index
    %get3A_1 = arith.constant 0 : index
    %get3A_2 = vector.load %arg4[%get3A, %get3A_0, %get3A_1] : memref<1x1024x16xf32, #tpu.memory_space<vmem>>, vector<1x1024x16xf32>
    %get3A_3 = vector.shape_cast %get3A_2 : vector<1x1024x16xf32> to vector<1024x16xf32>
    %slice3A = vector.extract_strided_slice %get3A_3 {offsets = [0, 0], sizes = [1024, 1], strides = [1, 1]} : vector<1024x16xf32> to vector<1024x1xf32>
    %get3A_4 = arith.constant 0 : index
    %get3A_5 = arith.constant 0 : index
    %get3A_6 = arith.constant 0 : index
    %get3A_7 = vector.load %arg5[%get3A_4, %get3A_5, %get3A_6] : memref<1x1024x16xf32, #tpu.memory_space<vmem>>, vector<1x1024x16xf32>
    %get3A_8 = vector.shape_cast %get3A_7 : vector<1x1024x16xf32> to vector<1024x16xf32>
    %slice3A_9 = vector.extract_strided_slice %get3A_8 {offsets = [0, 0], sizes = [1024, 1], strides = [1, 1]} : vector<1024x16xf32> to vector<1024x1xf32>
    %add3A = arith.addf %slice3A, %slice3A_9 : vector<1024x1xf32>
    %add3A_10 = arith.constant 1.000000e+00 : f32
    %add3A_11 = vector.broadcast %add3A_10 : f32 to vector<1024x1xf32>
    %add3A_12 = arith.addf %add3A, %add3A_11 : vector<1024x1xf32>
    %rsqrt3A = math.rsqrt %add3A_12 : vector<1024x1xf32>
    %get3A_13 = arith.constant 0 : index
    %get3A_14 = arith.constant 0 : index
    %get3A_15 = arith.constant 0 : index
    %get3A_16 = vector.load %arg1[%get3A_13, %get3A_14, %get3A_15] : memref<1x1024x128xf32, #tpu.memory_space<vmem>>, vector<1x1024x128xf32>
    %get3A_17 = vector.shape_cast %get3A_16 : vector<1x1024x128xf32> to vector<1024x128xf32>
    %get3A_18 = arith.constant 0 : index
    %get3A_19 = arith.constant 0 : index
    %get3A_20 = arith.constant 0 : index
    %get3A_21 = vector.load %arg2[%get3A_18, %get3A_19, %get3A_20] : memref<1x1024x128xf32, #tpu.memory_space<vmem>>, vector<1x1024x128xf32>
    %get3A_22 = vector.shape_cast %get3A_21 : vector<1x1024x128xf32> to vector<1024x128xf32>
    %add3A_23 = arith.addf %get3A_17, %get3A_22 : vector<1024x128xf32>
    %get3A_24 = arith.constant 0 : index
    %get3A_25 = arith.constant 0 : index
    %get3A_26 = vector.load %arg3[%get3A_24, %get3A_25] : memref<1024x128xf32, #tpu.memory_space<vmem>>, vector<1024x128xf32>
    %add3A_27 = arith.addf %add3A_23, %get3A_26 : vector<1024x128xf32>
    %mul3A = vector.broadcast %rsqrt3A : vector<1024x1xf32> to vector<1024x128xf32>
    %mul3A_28 = arith.mulf %add3A_27, %mul3A : vector<1024x128xf32>
    %get3A_29 = arith.constant 0 : index
    %get3A_30 = arith.constant 0 : index
    %get3A_31 = vector.load %arg6[%get3A_29, %get3A_30] : memref<1x128xf32, #tpu.memory_space<vmem>>, vector<1x128xf32>
    %add3A_32 = vector.broadcast %get3A_31 : vector<1x128xf32> to vector<1024x128xf32>
    %add3A_33 = arith.addf %mul3A_28, %add3A_32 : vector<1024x128xf32>
    %swap3A = arith.constant 0 : index
    %swap3A_34 = arith.constant 0 : index
    %swap3A_35 = vector.load %arg7[%swap3A, %swap3A_34] : memref<1024x128xf32, #tpu.memory_space<vmem>>, vector<1024x128xf32>
    tpu.vector_store %arg7[%swap3A, %swap3A_34], %add3A_33 {strides = array<i32>} : memref<1024x128xf32, #tpu.memory_space<vmem>>, vector<1024x128xf32>,
    return
  }
  func.func @transform_0(%arg0: i32) -> (i32, i32, i32) {
    %c0_i32 = arith.constant 0 : i32
    %c0_i32_0 = arith.constant 0 : i32
    %c0_i32_1 = arith.constant 0 : i32
    return %c0_i32, %arg0, %c0_i32_0 : i32, i32, i32
  }
  func.func @transform_1(%arg0: i32) -> (i32, i32, i32) {
    %c1_i32 = arith.constant 1 : i32
    %c0_i32 = arith.constant 0 : i32
    %c0_i32_0 = arith.constant 0 : i32
    return %c1_i32, %arg0, %c0_i32 : i32, i32, i32
  }
  func.func @transform_2(%arg0: i32) -> (i32, i32) {
    %c0_i32 = arith.constant 0 : i32
    %c0_i32_0 = arith.constant 0 : i32
    return %arg0, %c0_i32 : i32, i32
  }
  func.func @transform_3(%arg0: i32) -> (i32, i32, i32) {
    %c0_i32 = arith.constant 0 : i32
    %c0_i32_0 = arith.constant 0 : i32
    %c0_i32_1 = arith.constant 0 : i32
    return %c0_i32, %arg0, %c0_i32_0 : i32, i32, i32
  }
  func.func @transform_4(%arg0: i32) -> (i32, i32, i32) {
    %c1_i32 = arith.constant 1 : i32
    %c0_i32 = arith.constant 0 : i32
    %c0_i32_0 = arith.constant 0 : i32
    return %c1_i32, %arg0, %c0_i32 : i32, i32, i32
  }
  func.func @transform_5(%arg0: i32) -> (i32, i32) {
    %c0_i32 = arith.constant 0 : i32
    %c0_i32_0 = arith.constant 0 : i32
    %c0_i32_1 = arith.constant 0 : i32
    return %c0_i32, %c0_i32_0 : i32, i32
  }
  func.func @transform_6(%arg0: i32) -> (i32, i32) {
    %c0_i32 = arith.constant 0 : i32
    %c0_i32_0 = arith.constant 0 : i32
    return %arg0, %c0_i32 : i32, i32
  }
}

</mosaic_0001>

<sc_bundles>
// kernel: kernel.11.cloned.1.call-start
scs
__scs_entry_jumppad:
0x0: {  	(pc) =	sbr.rel $0x88, $3  }
0x1: {  	(tag) =	ssettag $0x0;
	lr =	simm.s32 $0x1  }
0x2: {  	[smem:$0x3F9B] =	sst lr;
	_ =	strace $0xD0000000  }
0x3: {  	_ = 	snop  }
0x4: {  	_ = 	snop  }
0x5: {  	_ = 	snop  }
0x6: {  	_ = 	snop  }
0x7: {  	_ = 	snop  }
__scs_overlays_trampoline_lowered:
0x8: {  	[smem:$0x3FAA] =	sst s0  }
0x9: {  	[smem:$0x3FAB] =	sst s1  }
0xa: {  	[smem:$0x3FAC] =	sst s2  }
0xb: {  	[smem:$0x3FAD] =	sst s3  }
0xc: {  	[smem:$0x3FAE] =	sst s4  }
0xd: {  	[smem:$0x3FAF] =	sst s5  }
0xe: {  	[smem:$0x3FB0] =	sst s6  }
0xf: {  	[smem:$0x3FB1] =	sst s7  }
0x10: {  	[smem:$0x3FB2] =	sst s8  }
0x11: {  	[smem:$0x3FB3] =	sst s9;
	s0 =	simm.s32 @!p0 $0x0  }
0x12: {  	s1 =	sld [smem:$0x3F99];
	s0 =	simm.s32 @p0 $0x1  }
0x13: {  	[smem:$0x3FB4] =	sst s0;
	s0 =	simm.s32 @!p1 $0x0  }
0x14: {  	s2 =	sld [smem:$0x3F98];
	s0 =	simm.s32 @p1 $0x1  }
0x15: {  	[smem:$0x3FB5] =	sst s0;
	s0 =	simm.s32 @!p2 $0x0  }
0x16: {  	s3 =	sld [smem:$0x3FDB];
	s0 =	simm.s32 @p2 $0x1  }
0x17: {  	s4 =	simm.s32 $0x1BF5;
	[smem:$0x3FB7] =	sst s0  }
0x18: {  	s0 =	sld [smem:$0x3F9A];
	_ =	swait.ge [sflag:s4], $0x0  }
0x19: {  	s7 =	sld [smem:$0x3F9B]  }
0x1a: {  	s8 =	sadd.s32 $0xFFFFE003, lr  }
0x1b: {  	s9 =	sadd.s32 $0xFFFFFEF7, lr;
	s5 =	simm.s32 $0xFFFFFFFF;
	p2 =	slt.u32 s8, $0xFFFFF086  }
0x1c: {  	p1 =	slt.u32 s9, $0xF7A;
	s5 =	simm.s32 @!p2 $0x0  }
0x1d: {  	s5 =	simm.s32 @p1 $0x1;
	p0 =	seq.s32 s7, s2  }
0x1e: {  	s7 =	smul.u32 @!p0 $0xF7A, s2;
	p2 =	seq.s32 @!p0 s5, $0x0  }
0x1f: {  	s9 =	smul.u32 $0xF7A, s1;
	s8 =	simm.s32 @!p0 $0x1BF5;
	p2 =	por !p2, p0  }
0x20: {  	[sflag:s8] =	ssyncset.s32 @!p0 $0xFFFFF086;
	s6 =	sadd.s32 @!p0 s3, s7;
	s7 =	simm.s32 @!p0 $0x108  }
0x21: {  	s3 =	sadd.s32 s3, s9;
	s6 =	sadd.s32 @!p0 $0x88, s6;
	s7 =	simm.s32 @p2 $0x1082  }
0x22: {  	[simem:s7], [sflag:s8] =	dma.local @!p0 [hbm:s6], $0xF7A  }
0x23: {  	s9 =	sor.u32 $0xD0000000, s2;
	s6 =	simm.s32 $0x108;
	_ =	swait.ge @!p0 [sflag:s8], $0x0  }
0x24: {  	s3 =	sadd.s32 $0x88, s3;
	s6 =	simm.s32 @!p1 $0x1082;
	[sflag:s4] =	ssyncset.s32 $0xFFFFF086  }
0x25: {  	[simem:s6], [sflag:s4] =	dma.local [hbm:s3], $0xF7A  }
0x26: {  	[smem:$0x3F9B] =	sst s1;
	(tag) =	ssettag s2;
	_ =	strace s9  }
0x27: {  	s1 =	sld [smem:$0x3FAB]  }
0x28: {  	s2 =	sld [smem:$0x3FAC]  }
0x29: {  	s4 =	sld [smem:$0x3FAE]  }
0x2a: {  	p0 =	seq.s32 s5, $0x0;
	s5 =	sld [smem:$0x3FAF]  }
0x2b: {  	s6 =	sld [smem:$0x3FB0]  }
0x2c: {  	s7 =	sld [smem:$0x3FB1]  }
0x2d: {  	s3 =	simm.s32 $0x108;
	s8 =	sld [smem:$0x3FB2]  }
0x2e: {  	s3 =	simm.s32 @!p0 $0x1082;
	s9 =	sld [smem:$0x3FB3]  }
0x2f: {  	lr =	sadd.s32 s0, s3;
	s0 =	sld [smem:$0x3FAA]  }
0x30: {  	s3 =	sld [smem:$0x3FAD]  }
0x31: {  	[smem:$0x3FB6] =	sst s10  }
0x32: {  	s10 =	sld [smem:$0x3FB4];
	_ =	sdelay $0x3  }
0x33: {  	p0 =	seq.s32 s10, $0x1;
	s10 =	sld [smem:$0x3FB6];
	_ =	sdelay $0x3  }
0x34: {  	[smem:$0x3FB6] =	sst s10  }
0x35: {  	s10 =	sld [smem:$0x3FB5];
	_ =	sdelay $0x3  }
0x36: {  	p1 =	seq.s32 s10, $0x1;
	s10 =	sld [smem:$0x3FB6];
	_ =	sdelay $0x3  }
0x37: {  	[smem:$0x3FB6] =	sst s10  }
0x38: {  	s10 =	sld [smem:$0x3FB7]  }
0x39: {  	_ = 	snop;
	(pc) =	sbr.ind lr, $3  }
0x3a: {  	_ = 	snop  }
0x3b: {  	_ = 	snop  }
0x3c: {  	p2 =	seq.s32 s10, $0x1;
	s10 =	sld [smem:$0x3FB6]  }
0x3d: {  	_ =	shalt  }
0x3e: {  	_ =	shalt  }
0x3f: {  	_ =	shalt  }
0x40: {  	_ =	shalt  }
0x41: {  	_ =	shalt  }
0x42: {  	_ =	shalt  }
0x43: {  	_ =	shalt  }
0x44: {  	_ =	shalt  }
0x45: {  	_ =	shalt  }
0x46: {  	_ =	shalt  }
0x47: {  	_ =	shalt  }
0x48: {  	_ =	shalt  }
0x49: {  	_ =	shalt  }
0x4a: {  	_ =	shalt  }
0x4b: {  	_ =	shalt  }
0x4c: {  	_ =	shalt  }
0x4d: {  	_ =	shalt  }
0x4e: {  	_ =	shalt  }
0x4f: {  	_ =	shalt  }
0x50: {  	_ =	shalt  }
0x51: {  	_ =	shalt  }
0x52: {  	_ =	shalt  }
0x53: {  	_ =	shalt  }
0x54: {  	_ =	shalt  }
0x55: {  	_ =	shalt  }
0x56: {  	_ =	shalt  }
0x57: {  	_ =	shalt  }
0x58: {  	_ =	shalt  }
0x59: {  	_ =	shalt  }
0x5a: {  	_ =	shalt  }
0x5b: {  	_ =	shalt  }
0x5c: {  	_ =	shalt  }
0x5d: {  	_ =	shalt  }
0x5e: {  	_ =	shalt  }
0x5f: {  	_ =	shalt  }
0x60: {  	_ =	shalt  }
0x61: {  	_ =	shalt  }
0x62: {  	_ =	shalt  }
0x63: {  	_ =	shalt  }
0x64: {  	_ =	shalt  }
0x65: {  	_ =	shalt  }
0x66: {  	_ =	shalt  }
0x67: {  	_ =	shalt  }
0x68: {  	_ =	shalt  }
0x69: {  	_ =	shalt  }
0x6a: {  	_ =	shalt  }
0x6b: {  	_ =	shalt  }
0x6c: {  	_ =	shalt  }
0x6d: {  	_ =	shalt  }
0x6e: {  	_ =	shalt  }
0x6f: {  	_ =	shalt  }
0x70: {  	_ =	shalt  }
0x71: {  	_ =	shalt  }
0x72: {  	_ =	shalt  }
0x73: {  	_ =	shalt  }
0x74: {  	_ =	shalt  }
0x75: {  	_ =	shalt  }
0x76: {  	_ =	shalt  }
0x77: {  	_ =	shalt  }
0x78: {  	_ =	shalt  }
0x79: {  	_ =	shalt  }
0x7a: {  	_ =	shalt  }
0x7b: {  	_ =	shalt  }
0x7c: {  	_ =	shalt  }
0x7d: {  	_ =	shalt  }
0x7e: {  	_ =	shalt  }
0x7f: {  	_ =	shalt  }
0x80: {  	_ =	shalt  }
0x81: {  	_ =	shalt  }
0x82: {  	_ =	shalt  }
0x83: {  	_ =	shalt  }
0x84: {  	_ =	shalt  }
0x85: {  	_ =	shalt  }
0x86: {  	_ =	shalt  }
0x87: {  	_ =	shalt  }
.Lfunc_end0:
.L_simem_size_0:
called_computation.1_lowered:
.L_overlay_start_0:
0x88: {  	s2 =	sld [smem:$0x3FD9]  }
0x89: {  	s3 =	sld [smem:$0x3FFE];
	_ =	sdelay $0x1  }
0x8a: {  	s1 =	srdreg.scid  }
0x8b: {  	s0 =	sand.u32 $0x1, s1  }
0x8c: {  	s17 =	sshll.u32 s0, $0xA;
	s2 =	sadd.s32 s3, s2  }
0x8d: {  	s2 =	sadd.s32 s2, s17  }
0x8e: {  	[smem:$0x3FC2] =	sst s2  }
0x8f: {  	_ = 	snop  }
0x90: {  	s2 =	sld [smem:$0x3FD0];
	(tm) =	ssettm $0x1  }
0x91: {  	s18 =	sld [smem:$0x3FFB];
	_ =	sdelay $0x3  }
0x92: {  	_ =	strace s18  }
0x93: {  	s3 =	sld [smem:$0x3FFC];
	_ =	sdelay $0x3  }
0x94: {  	_ =	strace s3  }
0x95: {  	s3 =	sld [smem:$0x3FFD];
	_ =	sdelay $0x3  }
0x96: {  	_ =	strace s3  }
0x97: {  	_ =	strace $0x8FFFFFFF  }
0x98: {  	s19 =	sld [smem:$0x3FDB];
	_ =	sdelay $0x1  }
0x99: {  	s4 =	simm.s32 $_scs_section_size  }
0x9a: {  	s5 =	simm.s32 $_size__tile_overlayer_lowered;
	s6 =	simm.s32 $_tile_overlayer_lowered  }
0x9b: {  	s22 =	simm.s32 $0x1BFF;
	s21 =	sshll.u32 s6, $0x1;
	s3 =	sadd.s32 s4, s19  }
0x9c: {  	s7 =	simm.s32 $0x0;
	s20 =	sshll.u32 s5, $0x1;
	s5 =	sadd.s32 s21, s3  }
0x9d: {  	[timem:s7], [sflag:s22] =	dma.local [hbm:s5], s20  }
0x9e: {  	_ =	swait.ge [sflag:s22], s20  }
0x9f: {  	s4 =	ssub.s32 $0x0, s20;
	[sflag:s22] =	ssyncset.done $0x0  }
0xa0: {  	[sflag:s22] =	ssyncadd.s32 s4;
	_ =	sdelay $0x1  }
0xa1: {  	s23 =	simm.s32 $0x1B8B  }
0xa2: {  	_ =	swait.ge [sflag:s23], $0x1  }
0xa3: {  	[sflag:s23] =	ssyncset.done $0x0  }
0xa4: {  	s25 =	simm.s32 $0x1B8E;
	s24 =	sld [smem:$0x3FFE];
	[sflag:s23] =	ssyncadd.s32 $0xFFFFFFFF  }
0xa5: {  	s26 =	simm.s32 $execute0_lowered;
	[smem:$0x3FD2] =	sst s25  }
0xa6: {  	s5 =	sshll.u32 s26, $0x1;
	_ =	strace $0x80000049;
	[dreg:$0x1] =	wrdreg $0xFFFFFFFF  }
0xa7: {  	s28 =	simm.s32 $_size_execute0_lowered;
	s3 =	sadd.s32 s3, s5;
	[dreg:$0x0] =	wrdreg $0x0  }
0xa8: {  	s5 =	sshll.u32 s28, $0x1;
	[dreg:$0x2] =	wrdreg s3  }
0xa9: {  	[dreg:$0x3] =	wrdreg s5  }
0xaa: {  	[dreg:$0x4] =	wrdreg $0xC0  }
0xab: {  	_ =	task [dreg:s7], $0x5FFFF  }
0xac: {  	[dreg:$0x1] =	wrdreg $0xFFFFFFFF  }
0xad: {  	[dreg:$0x0] =	wrdreg $0x60  }
0xae: {  	[dreg:$0x2] =	wrdreg s24  }
0xaf: {  	[dreg:$0x3] =	wrdreg s2  }
0xb0: {  	[dreg:$0x4] =	wrdreg $0x41000  }
0xb1: {  	[dreg:$0x5] =	wrdreg $0x9  }
0xb2: {  	_ =	task.clear_ibuf [dreg:s7], $0x6FFFF;
	_ =	strace $0x90000049  }
0xb3: {  	s29 =	simm.s32 $0x9;
	_ =	strace $0x8000004B  }
0xb4: {  	_ =	swait.ge [sflag:s29], $0x1  }
0xb5: {  	[sflag:s29] =	ssyncadd.s32 $0xFFFFFFFF  }
0xb6: {  	_ =	strace $0x9000004B  }
0xb7: {  	_ =	sfence  }
0xb8: {  	s30 =	sld [smem:$0x0];
	_ =	sdelay $0x2  }
0xb9: {  	s31 =	sshll.u32 s1, $0xD;
	s1 =	sshrl.u32 s1, $0x2  }
0xba: {  	s3 =	sand.u32 $0x4000, s31;
	s1 =	sadd.s32 s1, s30  }
0xbb: {  	s0 =	sor.u32 s3, s0;
	s1 =	sshll.u32 s1, $0x11  }
0xbc: {  	s0 =	sor.u32 s1, s0  }
0xbd: {  	s0 =	sadd.s32 $0x8F2B, s0  }
0xbe: {  	[sflag:s0] =	ssyncadd.remote.s32 $0x1  }
0xbf: {  	_ =	sfence.sel $0xFFFF  }
0xc0: {  	[dreg:$0x0] =	wrdreg $0xFFFFFFFF;
	(pc) =	sbr.abs _section_cstart, $3  }
0xc1: {  	[dreg:$0x1] =	wrdreg $0xFFFFFFFF  }
0xc2: {  	_ =	task.clear_ibuf [dreg:s7], $0x2FFFF;
	_ =	strace $0x9FFFFFFF  }
0xc3: {  	(tm) =	ssettm $0x7FFFFFFF  }
tec
execute0_lowered:
.L_overlay_start_1:
0x0: {  	(tag) =	ssettag $0x1  }
0x1: {  	s5 =	rddreg [dreg:$0x0]  }
0x2: {  	s10 =	rddreg [dreg:$0x1]  }
0x3: {  	s1 =	rddreg [dreg:$0x2];
	s3 =	srdreg.scid  }
0x4: {  	s0 =	rddreg [dreg:$0x3];
	s6 =	sand.u32 $0x1, s3  }
0x5: {  	s2 =	simm.s32 $0x0;
	s3 =	stileid.u32;
	s11 =	smul.u32 $0x5000, s6  }
0x6: {  	s16 =	simm.s32 $0x1;
	s20 =	simm.s32 $0x0;
	s7 =	smul.u32 $0x50000, s3  }
0x7: {  	[smem:$0x7FF] =	sst s2;
	s4 =	sadd.s32 $0x5C200, s5;
	s8 =	smul.u32 $0x28000, s6  }
0x8: {  	_ =	strace $0x8000004A;
	s6 =	ssub.s32 $0x2, s6;
	s15 =	smul.u32 $0x500, s3  }
0x9: {  	s18 =	smul.u32 $0x2800, s3;
	s31 =	sshll.u32 s3, $0x6;
	s9 =	sshrl.u32 s6, $0x1  }
0xa: {  	s12 =	sadd.s32 s11, s5;
	s7 =	sshrl.u32 s7, $0x2;
	s13 =	sadd.s32 s8, s5  }
0xb: {  	s14 =	ssub.s32 s6, s9;
	s11 =	sadd.s32 s11, s10;
	s5 =	sadd.s32 s7, s1  }
0xc: {  	s17 =	sadd.s32 $0x84200, s13;
	s12 =	sadd.s32 s15, s12;
	s10 =	smax.u32 s14, $0x1  }
0xd: {  	s11 =	sadd.s32 s15, s11;
	s13 =	simm.s32 $0x100;
	s14 =	simm.s32 $0x2  }
0xe: {  	s15 =	simm.s32 $0x80;
	s6 =	sadd.s32 $0x4000, s5;
	s7 =	sadd.s32 $0x8000, s5  }
0xf: {  	s8 =	sadd.s32 $0xC000, s5;
	s9 =	sadd.s32 $0x10000, s5;
	s12 =	sadd.s32 $0x52200, s12  }
0x10: {  	v0 =	vimm.f32 $0.0e+00;
	s17 =	sadd.s32 s18, s17;
	s18 =	sor.u32 $0x1C02, s31;
	s19 =	sshrl.u32 s5, $0x3  }
.LBB2_1:
0x11: {  	s21 =	simm.s32 $0x0;
	s22 =	simm.s32 $0x200  }
.LBB2_2:
0x12: {  	p0 =	sne.s32 s22, $0xFE00;
	[tilespmem:s21+$0x170] =	vst v0  }
0x13: {  	[tilespmem:s21+$0x100] =	vst v0  }
0x14: {  	[tilespmem:s21+$0x110] =	vst v0  }
.Ltmp0:
0x15: {  	[tilespmem:s21+$0x120] =	vst v0;
	(pc) =	sbr.rel @p0 .LBB2_2-.Ltmp0, $4  }
0x16: {  	[tilespmem:s21+$0x130] =	vst v0  }
0x17: {  	[tilespmem:s21+$0x140] =	vst v0  }
0x18: {  	[tilespmem:s21+$0x150] =	vst v0  }
0x19: {  	[tilespmem:s21+$0x160] =	vst v0;
	s21 =	sshra.s32 s22, $0x2;
	s22 =	sadd.s32 $0x200, s22  }
0x1a: {  	[tilespmem:s21+$0x170] =	vst v0  }
0x1b: {  	[tilespmem:s21+$0x100] =	vst v0  }
0x1c: {  	[tilespmem:s21+$0x110] =	vst v0  }
0x1d: {  	[tilespmem:s21+$0x120] =	vst v0  }
0x1e: {  	[tilespmem:s21+$0x130] =	vst v0  }
0x1f: {  	[tilespmem:s21+$0x140] =	vst v0  }
0x20: {  	[tilespmem:s21+$0x150] =	vst v0  }
0x21: {  	[tilespmem:s21+$0x160] =	vst v0  }
0x22: {  	[spmem:s5] =	stream.linear.scatter [tilespmem:s13], [sflag:$0x2], $0x4000, $0x38;
	[tilespmem:$0x18100] =	vst v63  }
0x23: {  	_ =	swait.ge [sflag:s14], $0x4000  }
0x24: {  	[sflag:s14] =	ssyncset.done $0x0  }
0x25: {  	[sflag:s14] =	ssyncadd.s32 $0xFFFFC000  }
0x26: {  	[spmem:s6] =	stream.linear.scatter [tilespmem:s13], [sflag:$0x2], $0x4000, $0x38;
	[tilespmem:$0x18100] =	vst v63  }
0x27: {  	_ =	swait.ge [sflag:s14], $0x4000  }
0x28: {  	[sflag:s14] =	ssyncset.done $0x0  }
0x29: {  	[sflag:s14] =	ssyncadd.s32 $0xFFFFC000  }
0x2a: {  	[spmem:s7] =	stream.linear.scatter [tilespmem:s13], [sflag:$0x2], $0x4000, $0x38;
	[tilespmem:$0x18100] =	vst v63  }
0x2b: {  	_ =	swait.ge [sflag:s14], $0x4000  }
0x2c: {  	[sflag:s14] =	ssyncset.done $0x0  }
0x2d: {  	[sflag:s14] =	ssyncadd.s32 $0xFFFFC000  }
0x2e: {  	[spmem:s8] =	stream.linear.scatter [tilespmem:s13], [sflag:$0x2], $0x4000, $0x38;
	[tilespmem:$0x18100] =	vst v63  }
0x2f: {  	_ =	swait.ge [sflag:s14], $0x4000  }
0x30: {  	[sflag:s14] =	ssyncset.done $0x0  }
0x31: {  	[sflag:s14] =	ssyncadd.s32 $0xFFFFC000  }
0x32: {  	[spmem:s9] =	stream.linear.scatter [tilespmem:s13], [sflag:$0x2], $0x4000, $0x38;
	[tilespmem:$0x18100] =	vst v63  }
0x33: {  	_ =	swait.ge [sflag:s14], $0x4000  }
0x34: {  	[sflag:s14] =	ssyncset.done $0x0  }
0x35: {  	[sflag:s14] =	ssyncadd.s32 $0xFFFFC000  }
0x36: {  	s30 =	sadd.s32 $0x0, s12;
	[bflag:$0x0] =	sbarrier.arrive $0xFFFF  }
0x37: {  	[tilespmem:s2], [sflag:$0x2] =	stream.linear.gather [hbm4b:s30+s2], $0x80, $0x38;
	[tilespmem:$0x18100] =	vst v63  }
0x38: {  	_ =	swait.ge [sflag:s14], $0x80  }
0x39: {  	[sflag:s14] =	ssyncset.done $0x0  }
0x3a: {  	s31 =	sadd.s32 $0x0, s11;
	[sflag:s14] =	ssyncadd.s32 $0xFFFFFF80  }
0x3b: {  	[tilespmem:s15], [sflag:$0x2] =	stream.linear.gather [hbm4b:s31+s2], $0x80, $0x38;
	[tilespmem:$0x18100] =	vst v63  }
0x3c: {  	_ =	swait.ge [sflag:s14], $0x80  }
0x3d: {  	[sflag:s14] =	ssyncset.done $0x0  }
0x3e: {  	[sflag:s14] =	ssyncadd.s32 $0xFFFFFF80  }
0x3f: {  	[tilespmem:s13], [sflag:$0x1] =	stream.indirect.gather [hbm4b:s4+s15], $0x80, s2, s15, $0xb8;
	[tilespmem:$0x18100] =	vst v63  }
0x40: {  	_ =	swait.ge [sflag:s16], $0x4000  }
0x41: {  	[sflag:s16] =	ssyncset.done $0x0  }
0x42: {  	[sflag:s16] =	ssyncadd.s32 $0xFFFFC000  }
0x43: {  	[spmem:s1] =	stream.indirect.scatter.add.f32 [tilespmem:s13], [sflag:$0x2], $0x80, s15, s15, $0xb8;
	[tilespmem:$0x18100] =	vst v63  }
0x44: {  	_ =	swait.ge [sflag:s14], $0x4000  }
0x45: {  	s21 =	simm.s32 $0x10;
	s22 =	simm.s32 $0x20;
	[sflag:s14] =	ssyncset.done $0x0  }
.LBB2_4:
0x46: {  	s23 =	sadd.s32 s21, s12  }
0x47: {  	[sflag:s14] =	ssyncadd.s32 $0xFFFFC000;
	s24 =	smov.u32 s22;
	s25 =	sadd.s32 $0x10, s22  }
0x48: {  	[tilespmem:s2], [sflag:$0x2] =	stream.linear.gather [hbm4b:s23+s2], $0x80, $0x38;
	[tilespmem:$0x18100] =	vst v63  }
0x49: {  	p0 =	sne.s32 s22, $0x4F0;
	_ =	swait.ge [sflag:s14], $0x80  }
0x4a: {  	[sflag:s14] =	ssyncset.done $0x0  }
0x4b: {  	s22 =	sadd.s32 s21, s11;
	s21 =	smov.u32 s24;
	[sflag:s14] =	ssyncadd.s32 $0xFFFFFF80  }
0x4c: {  	[tilespmem:s15], [sflag:$0x2] =	stream.linear.gather [hbm4b:s22+s2], $0x80, $0x38;
	[tilespmem:$0x18100] =	vst v63  }
0x4d: {  	_ =	swait.ge [sflag:s14], $0x80  }
0x4e: {  	[sflag:s14] =	ssyncset.done $0x0  }
0x4f: {  	[sflag:s14] =	ssyncadd.s32 $0xFFFFFF80  }
0x50: {  	[tilespmem:s13], [sflag:$0x1] =	stream.indirect.gather [hbm4b:s4+s15], $0x80, s2, s15, $0xb8;
	[tilespmem:$0x18100] =	vst v63  }
0x51: {  	_ =	swait.ge [sflag:s16], $0x4000  }
.Ltmp1:
0x52: {  	[sflag:s16] =	ssyncset.done $0x0;
	(pc) =	sbr.rel @p0 .LBB2_4-.Ltmp1, $4  }
0x53: {  	[sflag:s16] =	ssyncadd.s32 $0xFFFFC000  }
0x54: {  	[spmem:s1] =	stream.indirect.scatter.add.f32 [tilespmem:s13], [sflag:$0x2], $0x80, s15, s15, $0xb8;
	[tilespmem:$0x18100] =	vst v63  }
0x55: {  	_ =	swait.ge [sflag:s14], $0x4000  }
0x56: {  	s22 =	smov.u32 s25;
	[sflag:s14] =	ssyncset.done $0x0  }
0x57: {  	s22 =	sadd.s32 s21, s12;
	[sflag:s14] =	ssyncadd.s32 $0xFFFFC000  }
0x58: {  	[tilespmem:s2], [sflag:$0x2] =	stream.linear.gather [hbm4b:s22+s2], $0x80, $0x38;
	[tilespmem:$0x18100] =	vst v63  }
0x59: {  	_ =	swait.ge [sflag:s14], $0x80  }
0x5a: {  	[sflag:s14] =	ssyncset.done $0x0  }
0x5b: {  	s31 =	sadd.s32 s21, s11;
	[sflag:s14] =	ssyncadd.s32 $0xFFFFFF80  }
0x5c: {  	[tilespmem:s15], [sflag:$0x2] =	stream.linear.gather [hbm4b:s31+s2], $0x80, $0x38;
	[tilespmem:$0x18100] =	vst v63  }
0x5d: {  	_ =	swait.ge [sflag:s14], $0x80  }
0x5e: {  	[sflag:s14] =	ssyncset.done $0x0  }
0x5f: {  	[sflag:s14] =	ssyncadd.s32 $0xFFFFFF80  }
0x60: {  	[tilespmem:s13], [sflag:$0x1] =	stream.indirect.gather [hbm4b:s4+s15], $0x80, s2, s15, $0xb8;
	[tilespmem:$0x18100] =	vst v63  }
0x61: {  	_ =	swait.ge [sflag:s16], $0x4000  }
0x62: {  	[sflag:s16] =	ssyncset.done $0x0  }
0x63: {  	[sflag:s16] =	ssyncadd.s32 $0xFFFFC000  }
0x64: {  	[spmem:s1] =	stream.indirect.scatter.add.f32 [tilespmem:s13], [sflag:$0x2], $0x80, s15, s15, $0xb8;
	[tilespmem:$0x18100] =	vst v63  }
0x65: {  	_ =	swait.ge [sflag:s14], $0x4000  }
0x66: {  	s20 =	sadd.s32 $0x1, s20;
	[sflag:s14] =	ssyncset.done $0x0  }
0x67: {  	p0 =	sne.s32 s20, s10;
	[sflag:s14] =	ssyncadd.s32 $0xFFFFC000  }
.Ltmp2:
0x68: {  	[bflag:$0x0] =	sbarrier.arrive $0xFFFF;
	(pc) =	sbr.rel @p0 .LBB2_1-.Ltmp2, $4  }
0x69: {  	[hbm:s17], [sflag:s18] =	dma.local [spmem:s19], $0x2800  }
0x6a: {  	_ =	swait.ge [sflag:s14], $0x2800  }
0x6b: {  	[sflag:s14] =	ssyncset.done $0x0  }
0x6c: {  	[sflag:s14] =	ssyncadd.s32 $0xFFFFD800  }
0x6d: {  	_ =	sfence.sel $0x180000  }
0x6e: {  	[bflag:$0x0] =	sbarrier.arrive $0xFFFF  }
0x6f: {  	p0 =	sne.s32 s3, $0x0;
	_ =	strace $0x9000004A  }
0x70: {  	s0 =	sadd.s32 @!p0 $0x100000, s0;
	[bflag:$0x2] =	sbarrier.arrive $0xFFFF  }
0x71: {  	[sflag:s0] =	ssyncadd.tile.s32 @!p0 $0x1;
	_ =	shalt  }
.Lfunc_end2:
_tile_overlayer_lowered:
.L_overlay_start_2:
0x72: {  	(tag) =	ssettag $0x2  }
0x73: {  	s0 =	rddreg [dreg:$0x0];
	s2 =	stileid.u32  }
0x74: {  	s1 =	rddreg [dreg:$0x1];
	p0 =	sne.s32 s2, $0x0  }
0x75: {  	s3 =	rddreg [dreg:$0x2];
	[bflag:$0x3] =	sbarrier.arrive $0xFFFF;
	s2 =	simm.s32 @!p0 $0x1C02  }
0x76: {  	[timem:s3], [sflag:s2] =	dma.local @!p0 [hbm:s0], s1  }
0x77: {  	s0 =	simm.s32 @!p0 $0x2  }
0x78: {  	_ =	swait.ge @!p0 [sflag:s0], s1  }
0x79: {  	s1 =	ssub.s32 @!p0 $0x0, s1;
	[sflag:s0] =	ssyncset.done @!p0 $0x0  }
0x7a: {  	[sflag:s0] =	ssyncadd.s32 @!p0 s1  }
0x7b: {  	[bflag:$0x3] =	sbarrier.arrive $0xFFFF  }
0x7c: {  	_ =	shalt  }

// kernel: kernel.14.cloned.1.call-start
scs
__scs_entry_jumppad:
0x0: {  	(pc) =	sbr.rel $0x88, $3  }
0x1: {  	(tag) =	ssettag $0x0;
	lr =	simm.s32 $0x1  }
0x2: {  	[smem:$0x3F9B] =	sst lr;
	_ =	strace $0xD0000000  }
0x3: {  	_ = 	snop  }
0x4: {  	_ = 	snop  }
0x5: {  	_ = 	snop  }
0x6: {  	_ = 	snop  }
0x7: {  	_ = 	snop  }
__scs_overlays_trampoline_lowered:
0x8: {  	[smem:$0x3FAA] =	sst s0  }
0x9: {  	[smem:$0x3FAB] =	sst s1  }
0xa: {  	[smem:$0x3FAC] =	sst s2  }
0xb: {  	[smem:$0x3FAD] =	sst s3  }
0xc: {  	[smem:$0x3FAE] =	sst s4  }
0xd: {  	[smem:$0x3FAF] =	sst s5  }
0xe: {  	[smem:$0x3FB0] =	sst s6  }
0xf: {  	[smem:$0x3FB1] =	sst s7  }
0x10: {  	[smem:$0x3FB2] =	sst s8  }
0x11: {  	[smem:$0x3FB3] =	sst s9;
	s0 =	simm.s32 @!p0 $0x0  }
0x12: {  	s1 =	sld [smem:$0x3F99];
	s0 =	simm.s32 @p0 $0x1  }
0x13: {  	[smem:$0x3FB4] =	sst s0;
	s0 =	simm.s32 @!p1 $0x0  }
0x14: {  	s2 =	sld [smem:$0x3F98];
	s0 =	simm.s32 @p1 $0x1  }
0x15: {  	[smem:$0x3FB5] =	sst s0;
	s0 =	simm.s32 @!p2 $0x0  }
0x16: {  	s3 =	sld [smem:$0x3FDB];
	s0 =	simm.s32 @p2 $0x1  }
0x17: {  	s4 =	simm.s32 $0x1BF5;
	[smem:$0x3FB7] =	sst s0  }
0x18: {  	s0 =	sld [smem:$0x3F9A];
	_ =	swait.ge [sflag:s4], $0x0  }
0x19: {  	s7 =	sld [smem:$0x3F9B]  }
0x1a: {  	s8 =	sadd.s32 $0xFFFFE003, lr  }
0x1b: {  	s9 =	sadd.s32 $0xFFFFFEF7, lr;
	s5 =	simm.s32 $0xFFFFFFFF;
	p2 =	slt.u32 s8, $0xFFFFF086  }
0x1c: {  	p1 =	slt.u32 s9, $0xF7A;
	s5 =	simm.s32 @!p2 $0x0  }
0x1d: {  	s5 =	simm.s32 @p1 $0x1;
	p0 =	seq.s32 s7, s2  }
0x1e: {  	s7 =	smul.u32 @!p0 $0xF7A, s2;
	p2 =	seq.s32 @!p0 s5, $0x0  }
0x1f: {  	s9 =	smul.u32 $0xF7A, s1;
	s8 =	simm.s32 @!p0 $0x1BF5;
	p2 =	por !p2, p0  }
0x20: {  	[sflag:s8] =	ssyncset.s32 @!p0 $0xFFFFF086;
	s6 =	sadd.s32 @!p0 s3, s7;
	s7 =	simm.s32 @!p0 $0x108  }
0x21: {  	s3 =	sadd.s32 s3, s9;
	s6 =	sadd.s32 @!p0 $0x88, s6;
	s7 =	simm.s32 @p2 $0x1082  }
0x22: {  	[simem:s7], [sflag:s8] =	dma.local @!p0 [hbm:s6], $0xF7A  }
0x23: {  	s9 =	sor.u32 $0xD0000000, s2;
	s6 =	simm.s32 $0x108;
	_ =	swait.ge @!p0 [sflag:s8], $0x0  }
0x24: {  	s3 =	sadd.s32 $0x88, s3;
	s6 =	simm.s32 @!p1 $0x1082;
	[sflag:s4] =	ssyncset.s32 $0xFFFFF086  }
0x25: {  	[simem:s6], [sflag:s4] =	dma.local [hbm:s3], $0xF7A  }
0x26: {  	[smem:$0x3F9B] =	sst s1;
	(tag) =	ssettag s2;
	_ =	strace s9  }
0x27: {  	s1 =	sld [smem:$0x3FAB]  }
0x28: {  	s2 =	sld [smem:$0x3FAC]  }
0x29: {  	s4 =	sld [smem:$0x3FAE]  }
0x2a: {  	p0 =	seq.s32 s5, $0x0;
	s5 =	sld [smem:$0x3FAF]  }
0x2b: {  	s6 =	sld [smem:$0x3FB0]  }
0x2c: {  	s7 =	sld [smem:$0x3FB1]  }
0x2d: {  	s3 =	simm.s32 $0x108;
	s8 =	sld [smem:$0x3FB2]  }
0x2e: {  	s3 =	simm.s32 @!p0 $0x1082;
	s9 =	sld [smem:$0x3FB3]  }
0x2f: {  	lr =	sadd.s32 s0, s3;
	s0 =	sld [smem:$0x3FAA]  }
0x30: {  	s3 =	sld [smem:$0x3FAD]  }
0x31: {  	[smem:$0x3FB6] =	sst s10  }
0x32: {  	s10 =	sld [smem:$0x3FB4];
	_ =	sdelay $0x3  }
0x33: {  	p0 =	seq.s32 s10, $0x1;
	s10 =	sld [smem:$0x3FB6];
	_ =	sdelay $0x3  }
0x34: {  	[smem:$0x3FB6] =	sst s10  }
0x35: {  	s10 =	sld [smem:$0x3FB5];
	_ =	sdelay $0x3  }
0x36: {  	p1 =	seq.s32 s10, $0x1;
	s10 =	sld [smem:$0x3FB6];
	_ =	sdelay $0x3  }
0x37: {  	[smem:$0x3FB6] =	sst s10  }
0x38: {  	s10 =	sld [smem:$0x3FB7]  }
0x39: {  	_ = 	snop;
	(pc) =	sbr.ind lr, $3  }
0x3a: {  	_ = 	snop  }
0x3b: {  	_ = 	snop  }
0x3c: {  	p2 =	seq.s32 s10, $0x1;
	s10 =	sld [smem:$0x3FB6]  }
0x3d: {  	_ =	shalt  }
0x3e: {  	_ =	shalt  }
0x3f: {  	_ =	shalt  }
0x40: {  	_ =	shalt  }
0x41: {  	_ =	shalt  }
0x42: {  	_ =	shalt  }
0x43: {  	_ =	shalt  }
0x44: {  	_ =	shalt  }
0x45: {  	_ =	shalt  }
0x46: {  	_ =	shalt  }
0x47: {  	_ =	shalt  }
0x48: {  	_ =	shalt  }
0x49: {  	_ =	shalt  }
0x4a: {  	_ =	shalt  }
0x4b: {  	_ =	shalt  }
0x4c: {  	_ =	shalt  }
0x4d: {  	_ =	shalt  }
0x4e: {  	_ =	shalt  }
0x4f: {  	_ =	shalt  }
0x50: {  	_ =	shalt  }
0x51: {  	_ =	shalt  }
0x52: {  	_ =	shalt  }
0x53: {  	_ =	shalt  }
0x54: {  	_ =	shalt  }
0x55: {  	_ =	shalt  }
0x56: {  	_ =	shalt  }
0x57: {  	_ =	shalt  }
0x58: {  	_ =	shalt  }
0x59: {  	_ =	shalt  }
0x5a: {  	_ =	shalt  }
0x5b: {  	_ =	shalt  }
0x5c: {  	_ =	shalt  }
0x5d: {  	_ =	shalt  }
0x5e: {  	_ =	shalt  }
0x5f: {  	_ =	shalt  }
0x60: {  	_ =	shalt  }
0x61: {  	_ =	shalt  }
0x62: {  	_ =	shalt  }
0x63: {  	_ =	shalt  }
0x64: {  	_ =	shalt  }
0x65: {  	_ =	shalt  }
0x66: {  	_ =	shalt  }
0x67: {  	_ =	shalt  }
0x68: {  	_ =	shalt  }
0x69: {  	_ =	shalt  }
0x6a: {  	_ =	shalt  }
0x6b: {  	_ =	shalt  }
0x6c: {  	_ =	shalt  }
0x6d: {  	_ =	shalt  }
0x6e: {  	_ =	shalt  }
0x6f: {  	_ =	shalt  }
0x70: {  	_ =	shalt  }
0x71: {  	_ =	shalt  }
0x72: {  	_ =	shalt  }
0x73: {  	_ =	shalt  }
0x74: {  	_ =	shalt  }
0x75: {  	_ =	shalt  }
0x76: {  	_ =	shalt  }
0x77: {  	_ =	shalt  }
0x78: {  	_ =	shalt  }
0x79: {  	_ =	shalt  }
0x7a: {  	_ =	shalt  }
0x7b: {  	_ =	shalt  }
0x7c: {  	_ =	shalt  }
0x7d: {  	_ =	shalt  }
0x7e: {  	_ =	shalt  }
0x7f: {  	_ =	shalt  }
0x80: {  	_ =	shalt  }
0x81: {  	_ =	shalt  }
0x82: {  	_ =	shalt  }
0x83: {  	_ =	shalt  }
0x84: {  	_ =	shalt  }
0x85: {  	_ =	shalt  }
0x86: {  	_ =	shalt  }
0x87: {  	_ =	shalt  }
.Lfunc_end0:
.L_simem_size_0:
called_computation.2_lowered:
.L_overlay_start_0:
0x88: {  	s2 =	sld [smem:$0x3FD9]  }
0x89: {  	s3 =	sld [smem:$0x3FFE];
	_ =	sdelay $0x1  }
0x8a: {  	s1 =	srdreg.scid  }
0x8b: {  	s0 =	sand.u32 $0x1, s1  }
0x8c: {  	s17 =	sshll.u32 s0, $0xA;
	s2 =	sadd.s32 s3, s2  }
0x8d: {  	s2 =	sadd.s32 s2, s17  }
0x8e: {  	[smem:$0x3FC2] =	sst s2  }
0x8f: {  	_ = 	snop  }
0x90: {  	s2 =	sld [smem:$0x3FD0];
	(tm) =	ssettm $0x1  }
0x91: {  	s18 =	sld [smem:$0x3FFB];
	_ =	sdelay $0x3  }
0x92: {  	_ =	strace s18  }
0x93: {  	s3 =	sld [smem:$0x3FFC];
	_ =	sdelay $0x3  }
0x94: {  	_ =	strace s3  }
0x95: {  	s3 =	sld [smem:$0x3FFD];
	_ =	sdelay $0x3  }
0x96: {  	_ =	strace s3  }
0x97: {  	_ =	strace $0x8FFFFFFF  }
0x98: {  	s19 =	sld [smem:$0x3FDB];
	_ =	sdelay $0x1  }
0x99: {  	s4 =	simm.s32 $_scs_section_size  }
0x9a: {  	s5 =	simm.s32 $_size__tile_overlayer_lowered;
	s6 =	simm.s32 $_tile_overlayer_lowered  }
0x9b: {  	s22 =	simm.s32 $0x1BFF;
	s21 =	sshll.u32 s6, $0x1;
	s3 =	sadd.s32 s4, s19  }
0x9c: {  	s7 =	simm.s32 $0x0;
	s20 =	sshll.u32 s5, $0x1;
	s5 =	sadd.s32 s21, s3  }
0x9d: {  	[timem:s7], [sflag:s22] =	dma.local [hbm:s5], s20  }
0x9e: {  	_ =	swait.ge [sflag:s22], s20  }
0x9f: {  	s4 =	ssub.s32 $0x0, s20;
	[sflag:s22] =	ssyncset.done $0x0  }
0xa0: {  	[sflag:s22] =	ssyncadd.s32 s4;
	_ =	sdelay $0x1  }
0xa1: {  	s23 =	simm.s32 $0x1B8B  }
0xa2: {  	_ =	swait.ge [sflag:s23], $0x1  }
0xa3: {  	[sflag:s23] =	ssyncset.done $0x0  }
0xa4: {  	s25 =	simm.s32 $0x1B8E;
	s24 =	sld [smem:$0x3FFE];
	[sflag:s23] =	ssyncadd.s32 $0xFFFFFFFF  }
0xa5: {  	s26 =	simm.s32 $execute0_lowered;
	[smem:$0x3FD2] =	sst s25  }
0xa6: {  	s5 =	sshll.u32 s26, $0x1;
	_ =	strace $0x8000004C;
	[dreg:$0x1] =	wrdreg $0xFFFFFFFF  }
0xa7: {  	s28 =	simm.s32 $_size_execute0_lowered;
	s3 =	sadd.s32 s3, s5;
	[dreg:$0x0] =	wrdreg $0x0  }
0xa8: {  	s5 =	sshll.u32 s28, $0x1;
	[dreg:$0x2] =	wrdreg s3  }
0xa9: {  	[dreg:$0x3] =	wrdreg s5  }
0xaa: {  	[dreg:$0x4] =	wrdreg $0xC0  }
0xab: {  	_ =	task [dreg:s7], $0x5FFFF  }
0xac: {  	[dreg:$0x1] =	wrdreg $0xFFFFFFFF  }
0xad: {  	[dreg:$0x0] =	wrdreg $0x60  }
0xae: {  	[dreg:$0x2] =	wrdreg s24  }
0xaf: {  	[dreg:$0x3] =	wrdreg s2  }
0xb0: {  	[dreg:$0x4] =	wrdreg $0x41000  }
0xb1: {  	[dreg:$0x5] =	wrdreg $0x9  }
0xb2: {  	_ =	task.clear_ibuf [dreg:s7], $0x6FFFF;
	_ =	strace $0x9000004C  }
0xb3: {  	s29 =	simm.s32 $0x9;
	_ =	strace $0x8000004E  }
0xb4: {  	_ =	swait.ge [sflag:s29], $0x1  }
0xb5: {  	[sflag:s29] =	ssyncadd.s32 $0xFFFFFFFF  }
0xb6: {  	_ =	strace $0x9000004E  }
0xb7: {  	_ =	sfence  }
0xb8: {  	s30 =	sld [smem:$0x0];
	_ =	sdelay $0x2  }
0xb9: {  	s31 =	sshll.u32 s1, $0xD;
	s1 =	sshrl.u32 s1, $0x2  }
0xba: {  	s3 =	sand.u32 $0x4000, s31;
	s1 =	sadd.s32 s1, s30  }
0xbb: {  	s0 =	sor.u32 s3, s0;
	s1 =	sshll.u32 s1, $0x11  }
0xbc: {  	s0 =	sor.u32 s1, s0  }
0xbd: {  	s0 =	sadd.s32 $0x8F2B, s0  }
0xbe: {  	[sflag:s0] =	ssyncadd.remote.s32 $0x1  }
0xbf: {  	_ =	sfence.sel $0xFFFF  }
0xc0: {  	[dreg:$0x0] =	wrdreg $0xFFFFFFFF;
	(pc) =	sbr.abs _section_cstart, $3  }
0xc1: {  	[dreg:$0x1] =	wrdreg $0xFFFFFFFF  }
0xc2: {  	_ =	task.clear_ibuf [dreg:s7], $0x2FFFF;
	_ =	strace $0x9FFFFFFF  }
0xc3: {  	(tm) =	ssettm $0x7FFFFFFF  }
tec
execute0_lowered:
.L_overlay_start_1:
0x0: {  	(tag) =	ssettag $0x1  }
0x1: {  	s5 =	rddreg [dreg:$0x0]  }
0x2: {  	s10 =	rddreg [dreg:$0x1]  }
0x3: {  	s1 =	rddreg [dreg:$0x2];
	s3 =	srdreg.scid  }
0x4: {  	s0 =	rddreg [dreg:$0x3];
	s6 =	sand.u32 $0x1, s3  }
0x5: {  	s2 =	simm.s32 $0x0;
	s3 =	stileid.u32;
	s11 =	smul.u32 $0x5000, s6  }
0x6: {  	s16 =	simm.s32 $0x1;
	s20 =	simm.s32 $0x0;
	s7 =	smul.u32 $0x50000, s3  }
0x7: {  	[smem:$0x7FF] =	sst s2;
	s4 =	sadd.s32 $0x5C200, s5;
	s8 =	smul.u32 $0x28000, s6  }
0x8: {  	_ =	strace $0x8000004D;
	s6 =	ssub.s32 $0x2, s6;
	s15 =	smul.u32 $0x500, s3  }
0x9: {  	s18 =	smul.u32 $0x2800, s3;
	s31 =	sshll.u32 s3, $0x6;
	s9 =	sshrl.u32 s6, $0x1  }
0xa: {  	s12 =	sadd.s32 s11, s5;
	s7 =	sshrl.u32 s7, $0x2;
	s13 =	sadd.s32 s8, s5  }
0xb: {  	s14 =	ssub.s32 s6, s9;
	s11 =	sadd.s32 s11, s10;
	s5 =	sadd.s32 s7, s1  }
0xc: {  	s17 =	sadd.s32 $0x84200, s13;
	s12 =	sadd.s32 s15, s12;
	s10 =	smax.u32 s14, $0x1  }
0xd: {  	s11 =	sadd.s32 s15, s11;
	s13 =	simm.s32 $0x100;
	s14 =	simm.s32 $0x2  }
0xe: {  	s15 =	simm.s32 $0x80;
	s6 =	sadd.s32 $0x4000, s5;
	s7 =	sadd.s32 $0x8000, s5  }
0xf: {  	s8 =	sadd.s32 $0xC000, s5;
	s9 =	sadd.s32 $0x10000, s5;
	s12 =	sadd.s32 $0x52200, s12  }
0x10: {  	v0 =	vimm.f32 $0.0e+00;
	s17 =	sadd.s32 s18, s17;
	s18 =	sor.u32 $0x1C02, s31;
	s19 =	sshrl.u32 s5, $0x3  }
.LBB2_1:
0x11: {  	s21 =	simm.s32 $0x0;
	s22 =	simm.s32 $0x200  }
.LBB2_2:
0x12: {  	p0 =	sne.s32 s22, $0xFE00;
	[tilespmem:s21+$0x170] =	vst v0  }
0x13: {  	[tilespmem:s21+$0x100] =	vst v0  }
0x14: {  	[tilespmem:s21+$0x110] =	vst v0  }
.Ltmp0:
0x15: {  	[tilespmem:s21+$0x120] =	vst v0;
	(pc) =	sbr.rel @p0 .LBB2_2-.Ltmp0, $4  }
0x16: {  	[tilespmem:s21+$0x130] =	vst v0  }
0x17: {  	[tilespmem:s21+$0x140] =	vst v0  }
0x18: {  	[tilespmem:s21+$0x150] =	vst v0  }
0x19: {  	[tilespmem:s21+$0x160] =	vst v0;
	s21 =	sshra.s32 s22, $0x2;
	s22 =	sadd.s32 $0x200, s22  }
0x1a: {  	[tilespmem:s21+$0x170] =	vst v0  }
0x1b: {  	[tilespmem:s21+$0x100] =	vst v0  }
0x1c: {  	[tilespmem:s21+$0x110] =	vst v0  }
0x1d: {  	[tilespmem:s21+$0x120] =	vst v0  }
0x1e: {  	[tilespmem:s21+$0x130] =	vst v0  }
0x1f: {  	[tilespmem:s21+$0x140] =	vst v0  }
0x20: {  	[tilespmem:s21+$0x150] =	vst v0  }
0x21: {  	[tilespmem:s21+$0x160] =	vst v0  }
0x22: {  	[spmem:s5] =	stream.linear.scatter [tilespmem:s13], [sflag:$0x2], $0x4000, $0x38;
	[tilespmem:$0x18100] =	vst v63  }
0x23: {  	_ =	swait.ge [sflag:s14], $0x4000  }
0x24: {  	[sflag:s14] =	ssyncset.done $0x0  }
0x25: {  	[sflag:s14] =	ssyncadd.s32 $0xFFFFC000  }
0x26: {  	[spmem:s6] =	stream.linear.scatter [tilespmem:s13], [sflag:$0x2], $0x4000, $0x38;
	[tilespmem:$0x18100] =	vst v63  }
0x27: {  	_ =	swait.ge [sflag:s14], $0x4000  }
0x28: {  	[sflag:s14] =	ssyncset.done $0x0  }
0x29: {  	[sflag:s14] =	ssyncadd.s32 $0xFFFFC000  }
0x2a: {  	[spmem:s7] =	stream.linear.scatter [tilespmem:s13], [sflag:$0x2], $0x4000, $0x38;
	[tilespmem:$0x18100] =	vst v63  }
0x2b: {  	_ =	swait.ge [sflag:s14], $0x4000  }
0x2c: {  	[sflag:s14] =	ssyncset.done $0x0  }
0x2d: {  	[sflag:s14] =	ssyncadd.s32 $0xFFFFC000  }
0x2e: {  	[spmem:s8] =	stream.linear.scatter [tilespmem:s13], [sflag:$0x2], $0x4000, $0x38;
	[tilespmem:$0x18100] =	vst v63  }
0x2f: {  	_ =	swait.ge [sflag:s14], $0x4000  }
0x30: {  	[sflag:s14] =	ssyncset.done $0x0  }
0x31: {  	[sflag:s14] =	ssyncadd.s32 $0xFFFFC000  }
0x32: {  	[spmem:s9] =	stream.linear.scatter [tilespmem:s13], [sflag:$0x2], $0x4000, $0x38;
	[tilespmem:$0x18100] =	vst v63  }
0x33: {  	_ =	swait.ge [sflag:s14], $0x4000  }
0x34: {  	[sflag:s14] =	ssyncset.done $0x0  }
0x35: {  	[sflag:s14] =	ssyncadd.s32 $0xFFFFC000  }
0x36: {  	s30 =	sadd.s32 $0x0, s12;
	[bflag:$0x0] =	sbarrier.arrive $0xFFFF  }
0x37: {  	[tilespmem:s2], [sflag:$0x2] =	stream.linear.gather [hbm4b:s30+s2], $0x80, $0x38;
	[tilespmem:$0x18100] =	vst v63  }
0x38: {  	_ =	swait.ge [sflag:s14], $0x80  }
0x39: {  	[sflag:s14] =	ssyncset.done $0x0  }
0x3a: {  	s31 =	sadd.s32 $0x0, s11;
	[sflag:s14] =	ssyncadd.s32 $0xFFFFFF80  }
0x3b: {  	[tilespmem:s15], [sflag:$0x2] =	stream.linear.gather [hbm4b:s31+s2], $0x80, $0x38;
	[tilespmem:$0x18100] =	vst v63  }
0x3c: {  	_ =	swait.ge [sflag:s14], $0x80  }
0x3d: {  	[sflag:s14] =	ssyncset.done $0x0  }
0x3e: {  	[sflag:s14] =	ssyncadd.s32 $0xFFFFFF80  }
0x3f: {  	[tilespmem:s13], [sflag:$0x1] =	stream.indirect.gather [hbm4b:s4+s15], $0x80, s2, s15, $0xb8;
	[tilespmem:$0x18100] =	vst v63  }
0x40: {  	_ =	swait.ge [sflag:s16], $0x4000  }
0x41: {  	[sflag:s16] =	ssyncset.done $0x0  }
0x42: {  	[sflag:s16] =	ssyncadd.s32 $0xFFFFC000  }
0x43: {  	[spmem:s1] =	stream.indirect.scatter.add.f32 [tilespmem:s13], [sflag:$0x2], $0x80, s15, s15, $0xb8;
	[tilespmem:$0x18100] =	vst v63  }
0x44: {  	_ =	swait.ge [sflag:s14], $0x4000  }
0x45: {  	s21 =	simm.s32 $0x10;
	s22 =	simm.s32 $0x20;
	[sflag:s14] =	ssyncset.done $0x0  }
.LBB2_4:
0x46: {  	s23 =	sadd.s32 s21, s12  }
0x47: {  	[sflag:s14] =	ssyncadd.s32 $0xFFFFC000;
	s24 =	smov.u32 s22;
	s25 =	sadd.s32 $0x10, s22  }
0x48: {  	[tilespmem:s2], [sflag:$0x2] =	stream.linear.gather [hbm4b:s23+s2], $0x80, $0x38;
	[tilespmem:$0x18100] =	vst v63  }
0x49: {  	p0 =	sne.s32 s22, $0x4F0;
	_ =	swait.ge [sflag:s14], $0x80  }
0x4a: {  	[sflag:s14] =	ssyncset.done $0x0  }
0x4b: {  	s22 =	sadd.s32 s21, s11;
	s21 =	smov.u32 s24;
	[sflag:s14] =	ssyncadd.s32 $0xFFFFFF80  }
0x4c: {  	[tilespmem:s15], [sflag:$0x2] =	stream.linear.gather [hbm4b:s22+s2], $0x80, $0x38;
	[tilespmem:$0x18100] =	vst v63  }
0x4d: {  	_ =	swait.ge [sflag:s14], $0x80  }
0x4e: {  	[sflag:s14] =	ssyncset.done $0x0  }
0x4f: {  	[sflag:s14] =	ssyncadd.s32 $0xFFFFFF80  }
0x50: {  	[tilespmem:s13], [sflag:$0x1] =	stream.indirect.gather [hbm4b:s4+s15], $0x80, s2, s15, $0xb8;
	[tilespmem:$0x18100] =	vst v63  }
0x51: {  	_ =	swait.ge [sflag:s16], $0x4000  }
.Ltmp1:
0x52: {  	[sflag:s16] =	ssyncset.done $0x0;
	(pc) =	sbr.rel @p0 .LBB2_4-.Ltmp1, $4  }
0x53: {  	[sflag:s16] =	ssyncadd.s32 $0xFFFFC000  }
0x54: {  	[spmem:s1] =	stream.indirect.scatter.add.f32 [tilespmem:s13], [sflag:$0x2], $0x80, s15, s15, $0xb8;
	[tilespmem:$0x18100] =	vst v63  }
0x55: {  	_ =	swait.ge [sflag:s14], $0x4000  }
0x56: {  	s22 =	smov.u32 s25;
	[sflag:s14] =	ssyncset.done $0x0  }
0x57: {  	s22 =	sadd.s32 s21, s12;
	[sflag:s14] =	ssyncadd.s32 $0xFFFFC000  }
0x58: {  	[tilespmem:s2], [sflag:$0x2] =	stream.linear.gather [hbm4b:s22+s2], $0x80, $0x38;
	[tilespmem:$0x18100] =	vst v63  }
0x59: {  	_ =	swait.ge [sflag:s14], $0x80  }
0x5a: {  	[sflag:s14] =	ssyncset.done $0x0  }
0x5b: {  	s31 =	sadd.s32 s21, s11;
	[sflag:s14] =	ssyncadd.s32 $0xFFFFFF80  }
0x5c: {  	[tilespmem:s15], [sflag:$0x2] =	stream.linear.gather [hbm4b:s31+s2], $0x80, $0x38;
	[tilespmem:$0x18100] =	vst v63  }
0x5d: {  	_ =	swait.ge [sflag:s14], $0x80  }
0x5e: {  	[sflag:s14] =	ssyncset.done $0x0  }
0x5f: {  	[sflag:s14] =	ssyncadd.s32 $0xFFFFFF80  }
0x60: {  	[tilespmem:s13], [sflag:$0x1] =	stream.indirect.gather [hbm4b:s4+s15], $0x80, s2, s15, $0xb8;
	[tilespmem:$0x18100] =	vst v63  }
0x61: {  	_ =	swait.ge [sflag:s16], $0x4000  }
0x62: {  	[sflag:s16] =	ssyncset.done $0x0  }
0x63: {  	[sflag:s16] =	ssyncadd.s32 $0xFFFFC000  }
0x64: {  	[spmem:s1] =	stream.indirect.scatter.add.f32 [tilespmem:s13], [sflag:$0x2], $0x80, s15, s15, $0xb8;
	[tilespmem:$0x18100] =	vst v63  }
0x65: {  	_ =	swait.ge [sflag:s14], $0x4000  }
0x66: {  	s20 =	sadd.s32 $0x1, s20;
	[sflag:s14] =	ssyncset.done $0x0  }
0x67: {  	p0 =	sne.s32 s20, s10;
	[sflag:s14] =	ssyncadd.s32 $0xFFFFC000  }
.Ltmp2:
0x68: {  	[bflag:$0x0] =	sbarrier.arrive $0xFFFF;
	(pc) =	sbr.rel @p0 .LBB2_1-.Ltmp2, $4  }
0x69: {  	[hbm:s17], [sflag:s18] =	dma.local [spmem:s19], $0x2800  }
0x6a: {  	_ =	swait.ge [sflag:s14], $0x2800  }
0x6b: {  	[sflag:s14] =	ssyncset.done $0x0  }
0x6c: {  	[sflag:s14] =	ssyncadd.s32 $0xFFFFD800  }
0x6d: {  	_ =	sfence.sel $0x180000  }
0x6e: {  	[bflag:$0x0] =	sbarrier.arrive $0xFFFF  }
0x6f: {  	p0 =	sne.s32 s3, $0x0;
	_ =	strace $0x9000004D  }
0x70: {  	s0 =	sadd.s32 @!p0 $0x100000, s0;
	[bflag:$0x2] =	sbarrier.arrive $0xFFFF  }
0x71: {  	[sflag:s0] =	ssyncadd.tile.s32 @!p0 $0x1;
	_ =	shalt  }
.Lfunc_end2:
_tile_overlayer_lowered:
.L_overlay_start_2:
0x72: {  	(tag) =	ssettag $0x2  }
0x73: {  	s0 =	rddreg [dreg:$0x0];
	s2 =	stileid.u32  }
0x74: {  	s1 =	rddreg [dreg:$0x1];
	p0 =	sne.s32 s2, $0x0  }
0x75: {  	s3 =	rddreg [dreg:$0x2];
	[bflag:$0x3] =	sbarrier.arrive $0xFFFF;
	s2 =	simm.s32 @!p0 $0x1C02  }
0x76: {  	[timem:s3], [sflag:s2] =	dma.local @!p0 [hbm:s0], s1  }
0x77: {  	s0 =	simm.s32 @!p0 $0x2  }
0x78: {  	_ =	swait.ge @!p0 [sflag:s0], s1  }
0x79: {  	s1 =	ssub.s32 @!p0 $0x0, s1;
	[sflag:s0] =	ssyncset.done @!p0 $0x0  }
0x7a: {  	[sflag:s0] =	ssyncadd.s32 @!p0 s1  }
0x7b: {  	[bflag:$0x3] =	sbarrier.arrive $0xFFFF  }
0x7c: {  	_ =	shalt  }

// kernel: kernel.8.cloned.1.call-start
scs
__scs_entry_jumppad:
0x0: {  	(pc) =	sbr.rel $0x88, $3  }
0x1: {  	(tag) =	ssettag $0x0;
	lr =	simm.s32 $0x1  }
0x2: {  	[smem:$0x3F9B] =	sst lr;
	_ =	strace $0xD0000000  }
0x3: {  	_ = 	snop  }
0x4: {  	_ = 	snop  }
0x5: {  	_ = 	snop  }
0x6: {  	_ = 	snop  }
0x7: {  	_ = 	snop  }
__scs_overlays_trampoline_lowered:
0x8: {  	[smem:$0x3FAA] =	sst s0  }
0x9: {  	[smem:$0x3FAB] =	sst s1  }
0xa: {  	[smem:$0x3FAC] =	sst s2  }
0xb: {  	[smem:$0x3FAD] =	sst s3  }
0xc: {  	[smem:$0x3FAE] =	sst s4  }
0xd: {  	[smem:$0x3FAF] =	sst s5  }
0xe: {  	[smem:$0x3FB0] =	sst s6  }
0xf: {  	[smem:$0x3FB1] =	sst s7  }
0x10: {  	[smem:$0x3FB2] =	sst s8  }
0x11: {  	[smem:$0x3FB3] =	sst s9;
	s0 =	simm.s32 @!p0 $0x0  }
0x12: {  	s1 =	sld [smem:$0x3F99];
	s0 =	simm.s32 @p0 $0x1  }
0x13: {  	[smem:$0x3FB4] =	sst s0;
	s0 =	simm.s32 @!p1 $0x0  }
0x14: {  	s2 =	sld [smem:$0x3F98];
	s0 =	simm.s32 @p1 $0x1  }
0x15: {  	[smem:$0x3FB5] =	sst s0;
	s0 =	simm.s32 @!p2 $0x0  }
0x16: {  	s3 =	sld [smem:$0x3FDB];
	s0 =	simm.s32 @p2 $0x1  }
0x17: {  	s4 =	simm.s32 $0x1BF5;
	[smem:$0x3FB7] =	sst s0  }
0x18: {  	s0 =	sld [smem:$0x3F9A];
	_ =	swait.ge [sflag:s4], $0x0  }
0x19: {  	s7 =	sld [smem:$0x3F9B]  }
0x1a: {  	s8 =	sadd.s32 $0xFFFFE003, lr  }
0x1b: {  	s9 =	sadd.s32 $0xFFFFFEF7, lr;
	s5 =	simm.s32 $0xFFFFFFFF;
	p2 =	slt.u32 s8, $0xFFFFF086  }
0x1c: {  	p1 =	slt.u32 s9, $0xF7A;
	s5 =	simm.s32 @!p2 $0x0  }
0x1d: {  	s5 =	simm.s32 @p1 $0x1;
	p0 =	seq.s32 s7, s2  }
0x1e: {  	s7 =	smul.u32 @!p0 $0xF7A, s2;
	p2 =	seq.s32 @!p0 s5, $0x0  }
0x1f: {  	s9 =	smul.u32 $0xF7A, s1;
	s8 =	simm.s32 @!p0 $0x1BF5;
	p2 =	por !p2, p0  }
0x20: {  	[sflag:s8] =	ssyncset.s32 @!p0 $0xFFFFF086;
	s6 =	sadd.s32 @!p0 s3, s7;
	s7 =	simm.s32 @!p0 $0x108  }
0x21: {  	s3 =	sadd.s32 s3, s9;
	s6 =	sadd.s32 @!p0 $0x88, s6;
	s7 =	simm.s32 @p2 $0x1082  }
0x22: {  	[simem:s7], [sflag:s8] =	dma.local @!p0 [hbm:s6], $0xF7A  }
0x23: {  	s9 =	sor.u32 $0xD0000000, s2;
	s6 =	simm.s32 $0x108;
	_ =	swait.ge @!p0 [sflag:s8], $0x0  }
0x24: {  	s3 =	sadd.s32 $0x88, s3;
	s6 =	simm.s32 @!p1 $0x1082;
	[sflag:s4] =	ssyncset.s32 $0xFFFFF086  }
0x25: {  	[simem:s6], [sflag:s4] =	dma.local [hbm:s3], $0xF7A  }
0x26: {  	[smem:$0x3F9B] =	sst s1;
	(tag) =	ssettag s2;
	_ =	strace s9  }
0x27: {  	s1 =	sld [smem:$0x3FAB]  }
0x28: {  	s2 =	sld [smem:$0x3FAC]  }
0x29: {  	s4 =	sld [smem:$0x3FAE]  }
0x2a: {  	p0 =	seq.s32 s5, $0x0;
	s5 =	sld [smem:$0x3FAF]  }
0x2b: {  	s6 =	sld [smem:$0x3FB0]  }
0x2c: {  	s7 =	sld [smem:$0x3FB1]  }
0x2d: {  	s3 =	simm.s32 $0x108;
	s8 =	sld [smem:$0x3FB2]  }
0x2e: {  	s3 =	simm.s32 @!p0 $0x1082;
	s9 =	sld [smem:$0x3FB3]  }
0x2f: {  	lr =	sadd.s32 s0, s3;
	s0 =	sld [smem:$0x3FAA]  }
0x30: {  	s3 =	sld [smem:$0x3FAD]  }
0x31: {  	[smem:$0x3FB6] =	sst s10  }
0x32: {  	s10 =	sld [smem:$0x3FB4];
	_ =	sdelay $0x3  }
0x33: {  	p0 =	seq.s32 s10, $0x1;
	s10 =	sld [smem:$0x3FB6];
	_ =	sdelay $0x3  }
0x34: {  	[smem:$0x3FB6] =	sst s10  }
0x35: {  	s10 =	sld [smem:$0x3FB5];
	_ =	sdelay $0x3  }
0x36: {  	p1 =	seq.s32 s10, $0x1;
	s10 =	sld [smem:$0x3FB6];
	_ =	sdelay $0x3  }
0x37: {  	[smem:$0x3FB6] =	sst s10  }
0x38: {  	s10 =	sld [smem:$0x3FB7]  }
0x39: {  	_ = 	snop;
	(pc) =	sbr.ind lr, $3  }
0x3a: {  	_ = 	snop  }
0x3b: {  	_ = 	snop  }
0x3c: {  	p2 =	seq.s32 s10, $0x1;
	s10 =	sld [smem:$0x3FB6]  }
0x3d: {  	_ =	shalt  }
0x3e: {  	_ =	shalt  }
0x3f: {  	_ =	shalt  }
0x40: {  	_ =	shalt  }
0x41: {  	_ =	shalt  }
0x42: {  	_ =	shalt  }
0x43: {  	_ =	shalt  }
0x44: {  	_ =	shalt  }
0x45: {  	_ =	shalt  }
0x46: {  	_ =	shalt  }
0x47: {  	_ =	shalt  }
0x48: {  	_ =	shalt  }
0x49: {  	_ =	shalt  }
0x4a: {  	_ =	shalt  }
0x4b: {  	_ =	shalt  }
0x4c: {  	_ =	shalt  }
0x4d: {  	_ =	shalt  }
0x4e: {  	_ =	shalt  }
0x4f: {  	_ =	shalt  }
0x50: {  	_ =	shalt  }
0x51: {  	_ =	shalt  }
0x52: {  	_ =	shalt  }
0x53: {  	_ =	shalt  }
0x54: {  	_ =	shalt  }
0x55: {  	_ =	shalt  }
0x56: {  	_ =	shalt  }
0x57: {  	_ =	shalt  }
0x58: {  	_ =	shalt  }
0x59: {  	_ =	shalt  }
0x5a: {  	_ =	shalt  }
0x5b: {  	_ =	shalt  }
0x5c: {  	_ =	shalt  }
0x5d: {  	_ =	shalt  }
0x5e: {  	_ =	shalt  }
0x5f: {  	_ =	shalt  }
0x60: {  	_ =	shalt  }
0x61: {  	_ =	shalt  }
0x62: {  	_ =	shalt  }
0x63: {  	_ =	shalt  }
0x64: {  	_ =	shalt  }
0x65: {  	_ =	shalt  }
0x66: {  	_ =	shalt  }
0x67: {  	_ =	shalt  }
0x68: {  	_ =	shalt  }
0x69: {  	_ =	shalt  }
0x6a: {  	_ =	shalt  }
0x6b: {  	_ =	shalt  }
0x6c: {  	_ =	shalt  }
0x6d: {  	_ =	shalt  }
0x6e: {  	_ =	shalt  }
0x6f: {  	_ =	shalt  }
0x70: {  	_ =	shalt  }
0x71: {  	_ =	shalt  }
0x72: {  	_ =	shalt  }
0x73: {  	_ =	shalt  }
0x74: {  	_ =	shalt  }
0x75: {  	_ =	shalt  }
0x76: {  	_ =	shalt  }
0x77: {  	_ =	shalt  }
0x78: {  	_ =	shalt  }
0x79: {  	_ =	shalt  }
0x7a: {  	_ =	shalt  }
0x7b: {  	_ =	shalt  }
0x7c: {  	_ =	shalt  }
0x7d: {  	_ =	shalt  }
0x7e: {  	_ =	shalt  }
0x7f: {  	_ =	shalt  }
0x80: {  	_ =	shalt  }
0x81: {  	_ =	shalt  }
0x82: {  	_ =	shalt  }
0x83: {  	_ =	shalt  }
0x84: {  	_ =	shalt  }
0x85: {  	_ =	shalt  }
0x86: {  	_ =	shalt  }
0x87: {  	_ =	shalt  }
.Lfunc_end0:
.L_simem_size_0:
called_computation_lowered:
.L_overlay_start_0:
0x88: {  	s2 =	sld [smem:$0x3FD9]  }
0x89: {  	s3 =	sld [smem:$0x3FFE];
	_ =	sdelay $0x1  }
0x8a: {  	s1 =	srdreg.scid  }
0x8b: {  	s0 =	sand.u32 $0x1, s1  }
0x8c: {  	s17 =	sshll.u32 s0, $0xA;
	s2 =	sadd.s32 s3, s2  }
0x8d: {  	s2 =	sadd.s32 s2, s17  }
0x8e: {  	[smem:$0x3FC2] =	sst s2  }
0x8f: {  	_ = 	snop  }
0x90: {  	s2 =	sld [smem:$0x3FD0];
	(tm) =	ssettm $0x1  }
0x91: {  	s18 =	sld [smem:$0x3FFB];
	_ =	sdelay $0x3  }
0x92: {  	_ =	strace s18  }
0x93: {  	s3 =	sld [smem:$0x3FFC];
	_ =	sdelay $0x3  }
0x94: {  	_ =	strace s3  }
0x95: {  	s3 =	sld [smem:$0x3FFD];
	_ =	sdelay $0x3  }
0x96: {  	_ =	strace s3  }
0x97: {  	_ =	strace $0x8FFFFFFF  }
0x98: {  	s19 =	sld [smem:$0x3FDB];
	_ =	sdelay $0x1  }
0x99: {  	s4 =	simm.s32 $_scs_section_size  }
0x9a: {  	s5 =	simm.s32 $_size__tile_overlayer_lowered;
	s6 =	simm.s32 $_tile_overlayer_lowered  }
0x9b: {  	s22 =	simm.s32 $0x1BFF;
	s21 =	sshll.u32 s6, $0x1;
	s3 =	sadd.s32 s4, s19  }
0x9c: {  	s7 =	simm.s32 $0x0;
	s20 =	sshll.u32 s5, $0x1;
	s5 =	sadd.s32 s21, s3  }
0x9d: {  	[timem:s7], [sflag:s22] =	dma.local [hbm:s5], s20  }
0x9e: {  	_ =	swait.ge [sflag:s22], s20  }
0x9f: {  	s4 =	ssub.s32 $0x0, s20;
	[sflag:s22] =	ssyncset.done $0x0  }
0xa0: {  	[sflag:s22] =	ssyncadd.s32 s4;
	_ =	sdelay $0x1  }
0xa1: {  	s23 =	simm.s32 $0x1B8B  }
0xa2: {  	_ =	swait.ge [sflag:s23], $0x1  }
0xa3: {  	[sflag:s23] =	ssyncset.done $0x0  }
0xa4: {  	s25 =	simm.s32 $0x1B8E;
	s24 =	sld [smem:$0x3FFE];
	[sflag:s23] =	ssyncadd.s32 $0xFFFFFFFF  }
0xa5: {  	s26 =	simm.s32 $execute0_lowered;
	[smem:$0x3FD2] =	sst s25  }
0xa6: {  	s5 =	sshll.u32 s26, $0x1;
	_ =	strace $0x80000046;
	[dreg:$0x1] =	wrdreg $0xFFFFFFFF  }
0xa7: {  	s28 =	simm.s32 $_size_execute0_lowered;
	s3 =	sadd.s32 s3, s5;
	[dreg:$0x0] =	wrdreg $0x0  }
0xa8: {  	s5 =	sshll.u32 s28, $0x1;
	[dreg:$0x2] =	wrdreg s3  }
0xa9: {  	[dreg:$0x3] =	wrdreg s5  }
0xaa: {  	[dreg:$0x4] =	wrdreg $0xC0  }
0xab: {  	_ =	task [dreg:s7], $0x5FFFF  }
0xac: {  	[dreg:$0x1] =	wrdreg $0xFFFFFFFF  }
0xad: {  	[dreg:$0x0] =	wrdreg $0x60  }
0xae: {  	[dreg:$0x2] =	wrdreg s2  }
0xaf: {  	[dreg:$0x3] =	wrdreg s24  }
0xb0: {  	[dreg:$0x4] =	wrdreg $0x40800  }
0xb1: {  	[dreg:$0x5] =	wrdreg $0x9  }
0xb2: {  	_ =	task.clear_ibuf [dreg:s7], $0x6FFFF;
	_ =	strace $0x90000046  }
0xb3: {  	s29 =	simm.s32 $0x9;
	_ =	strace $0x80000048  }
0xb4: {  	_ =	swait.ge [sflag:s29], $0x1  }
0xb5: {  	[sflag:s29] =	ssyncadd.s32 $0xFFFFFFFF  }
0xb6: {  	_ =	strace $0x90000048  }
0xb7: {  	_ =	sfence  }
0xb8: {  	s30 =	sld [smem:$0x0];
	_ =	sdelay $0x2  }
0xb9: {  	s31 =	sshll.u32 s1, $0xD;
	s1 =	sshrl.u32 s1, $0x2  }
0xba: {  	s3 =	sand.u32 $0x4000, s31;
	s1 =	sadd.s32 s1, s30  }
0xbb: {  	s0 =	sor.u32 s3, s0;
	s1 =	sshll.u32 s1, $0x11  }
0xbc: {  	s0 =	sor.u32 s1, s0  }
0xbd: {  	s0 =	sadd.s32 $0x8F2B, s0  }
0xbe: {  	[sflag:s0] =	ssyncadd.remote.s32 $0x1  }
0xbf: {  	_ =	sfence.sel $0xFFFF  }
0xc0: {  	[dreg:$0x0] =	wrdreg $0xFFFFFFFF;
	(pc) =	sbr.abs _section_cstart, $3  }
0xc1: {  	[dreg:$0x1] =	wrdreg $0xFFFFFFFF  }
0xc2: {  	_ =	task.clear_ibuf [dreg:s7], $0x2FFFF;
	_ =	strace $0x9FFFFFFF  }
0xc3: {  	(tm) =	ssettm $0x7FFFFFFF  }
tec
execute0_lowered:
.L_overlay_start_1:
0x0: {  	(tag) =	ssettag $0x1  }
0x1: {  	s9 =	rddreg [dreg:$0x0]  }
0x2: {  	s4 =	rddreg [dreg:$0x1]  }
0x3: {  	s2 =	rddreg [dreg:$0x2];
	s1 =	stileid.u32  }
0x4: {  	s0 =	rddreg [dreg:$0x3];
	s29 =	smul.u32 $0x50000, s1  }
0x5: {  	s5 =	srdreg.scid;
	s3 =	simm.s32 $0x0;
	s13 =	smul.u32 $0x500, s1  }
0x6: {  	s16 =	simm.s32 $0x0;
	s7 =	sand.u32 $0x1, s5;
	s15 =	smul.u32 $0x2800, s1  }
0x7: {  	[smem:$0x7FF] =	sst s3;
	s31 =	sshll.u32 s1, $0x6;
	s6 =	smul.u32 $0x28000, s7  }
0x8: {  	s8 =	ssub.s32 $0x2, s7;
	_ =	strace $0x80000047;
	s12 =	smul.u32 $0x5000, s7  }
0x9: {  	s10 =	sshrl.u32 s8, $0x1;
	s5 =	sshrl.u32 s29, $0x2;
	s11 =	sadd.s32 s6, s4  }
0xa: {  	s10 =	ssub.s32 s8, s10;
	s4 =	sadd.s32 s5, s2;
	s30 =	sadd.s32 s12, s9  }
0xb: {  	s12 =	simm.s32 $0x1;
	s5 =	sadd.s32 $0x4000, s4;
	s6 =	sadd.s32 $0x8000, s4  }
0xc: {  	s7 =	sadd.s32 $0xC000, s4;
	s8 =	sadd.s32 $0x10000, s4;
	s14 =	sadd.s32 $0x2200, s11  }
0xd: {  	s9 =	smax.u32 s10, $0x1;
	s10 =	sadd.s32 s13, s30;
	s11 =	simm.s32 $0x80  }
0xe: {  	v0 =	vimm.f32 $0.0e+00;
	v1 =	vimm.f32 $1.000000000e+00;
	s13 =	sadd.s32 s15, s14;
	s14 =	sor.u32 $0x1C01, s31;
	s15 =	sshrl.u32 s4, $0x3  }
.LBB2_1:
0xf: {  	s17 =	simm.s32 $0x200;
	s18 =	simm.s32 $0x0  }
.LBB2_2:
0x10: {  	p0 =	sne.s32 s17, $0xFE00;
	[tilespmem:s18+$0x80] =	vst v0;
	s18 =	smov.u32 s17;
	s17 =	sadd.s32 $0x200, s17  }
.Ltmp0:
0x11: {  	(pc) =	sbr.rel @p0 .LBB2_2-.Ltmp0, $2  }
0x12: {  	_ =	sdelay $0x2  }
0x13: {  	s18 =	sshra.s32 s18, $0x2  }
0x14: {  	[tilespmem:s18+$0x80] =	vst v0  }
0x15: {  	[spmem:s4] =	stream.linear.scatter [tilespmem:s11], [sflag:$0x1], $0x4000, $0x38;
	[tilespmem:$0x6880] =	vst v63  }
0x16: {  	_ =	swait.ge [sflag:s12], $0x4000  }
0x17: {  	[sflag:s12] =	ssyncset.done $0x0  }
0x18: {  	[sflag:s12] =	ssyncadd.s32 $0xFFFFC000  }
0x19: {  	[spmem:s5] =	stream.linear.scatter [tilespmem:s11], [sflag:$0x1], $0x4000, $0x38;
	[tilespmem:$0x6880] =	vst v63  }
0x1a: {  	_ =	swait.ge [sflag:s12], $0x4000  }
0x1b: {  	[sflag:s12] =	ssyncset.done $0x0  }
0x1c: {  	[sflag:s12] =	ssyncadd.s32 $0xFFFFC000  }
0x1d: {  	[spmem:s6] =	stream.linear.scatter [tilespmem:s11], [sflag:$0x1], $0x4000, $0x38;
	[tilespmem:$0x6880] =	vst v63  }
0x1e: {  	_ =	swait.ge [sflag:s12], $0x4000  }
0x1f: {  	[sflag:s12] =	ssyncset.done $0x0  }
0x20: {  	[sflag:s12] =	ssyncadd.s32 $0xFFFFC000  }
0x21: {  	[spmem:s7] =	stream.linear.scatter [tilespmem:s11], [sflag:$0x1], $0x4000, $0x38;
	[tilespmem:$0x6880] =	vst v63  }
0x22: {  	_ =	swait.ge [sflag:s12], $0x4000  }
0x23: {  	[sflag:s12] =	ssyncset.done $0x0  }
0x24: {  	[sflag:s12] =	ssyncadd.s32 $0xFFFFC000  }
0x25: {  	[spmem:s8] =	stream.linear.scatter [tilespmem:s11], [sflag:$0x1], $0x4000, $0x38;
	[tilespmem:$0x6880] =	vst v63  }
0x26: {  	_ =	swait.ge [sflag:s12], $0x4000  }
0x27: {  	[sflag:s12] =	ssyncset.done $0x0  }
0x28: {  	s17 =	simm.s32 $0x200;
	s18 =	simm.s32 $0x0;
	[sflag:s12] =	ssyncadd.s32 $0xFFFFC000  }
.LBB2_4:
0x29: {  	p0 =	sne.s32 s17, $0xFE00;
	[tilespmem:s18+$0x80] =	vst v1;
	s18 =	smov.u32 s17;
	s17 =	sadd.s32 $0x200, s17  }
.Ltmp1:
0x2a: {  	(pc) =	sbr.rel @p0 .LBB2_4-.Ltmp1, $2  }
0x2b: {  	_ =	sdelay $0x2  }
0x2c: {  	s18 =	sshra.s32 s18, $0x2  }
0x2d: {  	[tilespmem:s18+$0x80] =	vst v1  }
0x2e: {  	s17 =	sadd.s32 $0x0, s10;
	[bflag:$0x0] =	sbarrier.arrive $0xFFFF  }
0x2f: {  	[tilespmem:s3], [sflag:$0x1] =	stream.linear.gather [hbm4b:s17+s3], $0x80, $0x38;
	[tilespmem:$0x6880] =	vst v63  }
0x30: {  	_ =	swait.ge [sflag:s12], $0x80  }
0x31: {  	[sflag:s12] =	ssyncset.done $0x0  }
0x32: {  	[sflag:s12] =	ssyncadd.s32 $0xFFFFFF80  }
0x33: {  	[spmem:s2] =	stream.indirect.scatter.add.f32 [tilespmem:s11], [sflag:$0x1], $0x10, s3, s11, $0xb8;
	[tilespmem:$0x6880] =	vst v63  }
0x34: {  	_ =	swait.ge [sflag:s12], $0x800  }
0x35: {  	s18 =	simm.s32 $0x20;
	s17 =	simm.s32 $0x10;
	[sflag:s12] =	ssyncset.done $0x0  }
.LBB2_6:
0x36: {  	s19 =	sadd.s32 s17, s10  }
0x37: {  	[sflag:s12] =	ssyncadd.s32 $0xFFFFF800;
	s17 =	smov.u32 s18;
	s20 =	sadd.s32 $0x10, s18  }
0x38: {  	[tilespmem:s3], [sflag:$0x1] =	stream.linear.gather [hbm4b:s19+s3], $0x80, $0x38;
	[tilespmem:$0x6880] =	vst v63  }
0x39: {  	p0 =	sne.s32 s18, $0x4F0;
	_ =	swait.ge [sflag:s12], $0x80  }
.Ltmp2:
0x3a: {  	[sflag:s12] =	ssyncset.done $0x0;
	(pc) =	sbr.rel @p0 .LBB2_6-.Ltmp2, $4  }
0x3b: {  	[sflag:s12] =	ssyncadd.s32 $0xFFFFFF80  }
0x3c: {  	[spmem:s2] =	stream.indirect.scatter.add.f32 [tilespmem:s11], [sflag:$0x1], $0x10, s3, s11, $0xb8;
	[tilespmem:$0x6880] =	vst v63  }
0x3d: {  	_ =	swait.ge [sflag:s12], $0x800  }
0x3e: {  	s18 =	smov.u32 s20;
	[sflag:s12] =	ssyncset.done $0x0  }
0x3f: {  	s17 =	sadd.s32 s17, s10;
	[sflag:s12] =	ssyncadd.s32 $0xFFFFF800  }
0x40: {  	[tilespmem:s3], [sflag:$0x1] =	stream.linear.gather [hbm4b:s17+s3], $0x80, $0x38;
	[tilespmem:$0x6880] =	vst v63  }
0x41: {  	_ =	swait.ge [sflag:s12], $0x80  }
0x42: {  	[sflag:s12] =	ssyncset.done $0x0  }
0x43: {  	[sflag:s12] =	ssyncadd.s32 $0xFFFFFF80  }
0x44: {  	[spmem:s2] =	stream.indirect.scatter.add.f32 [tilespmem:s11], [sflag:$0x1], $0x10, s3, s11, $0xb8;
	[tilespmem:$0x6880] =	vst v63  }
0x45: {  	_ =	swait.ge [sflag:s12], $0x800  }
0x46: {  	s16 =	sadd.s32 $0x1, s16;
	[sflag:s12] =	ssyncset.done $0x0  }
0x47: {  	p0 =	sne.s32 s16, s9;
	[sflag:s12] =	ssyncadd.s32 $0xFFFFF800  }
.Ltmp3:
0x48: {  	[bflag:$0x0] =	sbarrier.arrive $0xFFFF;
	(pc) =	sbr.rel @p0 .LBB2_1-.Ltmp3, $4  }
0x49: {  	[hbm:s13], [sflag:s14] =	dma.local [spmem:s15], $0x2800  }
0x4a: {  	_ =	swait.ge [sflag:s12], $0x2800  }
0x4b: {  	[sflag:s12] =	ssyncset.done $0x0  }
0x4c: {  	[sflag:s12] =	ssyncadd.s32 $0xFFFFD800  }
0x4d: {  	_ =	sfence.sel $0x180000  }
0x4e: {  	[bflag:$0x0] =	sbarrier.arrive $0xFFFF  }
0x4f: {  	p0 =	sne.s32 s1, $0x0;
	_ =	strace $0x90000047  }
0x50: {  	s0 =	sadd.s32 @!p0 $0x100000, s0;
	[bflag:$0x2] =	sbarrier.arrive $0xFFFF  }
0x51: {  	[sflag:s0] =	ssyncadd.tile.s32 @!p0 $0x1;
	_ =	shalt  }
.Lfunc_end2:
_tile_overlayer_lowered:
.L_overlay_start_2:
0x52: {  	(tag) =	ssettag $0x2  }
0x53: {  	s0 =	rddreg [dreg:$0x0];
	s2 =	stileid.u32  }
0x54: {  	s1 =	rddreg [dreg:$0x1];
	p0 =	sne.s32 s2, $0x0  }
0x55: {  	s3 =	rddreg [dreg:$0x2];
	[bflag:$0x3] =	sbarrier.arrive $0xFFFF;
	s2 =	simm.s32 @!p0 $0x1C01  }
0x56: {  	[timem:s3], [sflag:s2] =	dma.local @!p0 [hbm:s0], s1  }
0x57: {  	s0 =	simm.s32 @!p0 $0x1  }
0x58: {  	_ =	swait.ge @!p0 [sflag:s0], s1  }
0x59: {  	s1 =	ssub.s32 @!p0 $0x0, s1;
	[sflag:s0] =	ssyncset.done @!p0 $0x0  }
0x5a: {  	[sflag:s0] =	ssyncadd.s32 @!p0 s1  }
0x5b: {  	[bflag:$0x3] =	sbarrier.arrive $0xFFFF  }
0x5c: {  	_ =	shalt  }

</sc_bundles>
